<compile_context>
chip_gen: v7x
topology: tpu7x:2x2x1
jax: 0.10.2.dev20260603
libtpu: 0.0.44.dev20260713+nightly
codegen_flags: <defaults>
</compile_context>

<pallas_src>
import functools
import numpy as np
import jax
import jax.numpy as jnp
from jax import lax
from jax.experimental import pallas as pl
from jax.experimental.pallas import tpu as pltpu
from jax.experimental.pallas import tpu_sc as plsc

_N = 8192
_B = 128
_K = 16
_Z = 1.0 / (1.0 - float(np.exp(-1.0)))

_R = 8
_T = 128

_NW = 16
_IPW = _B * _K // _NW


def _rank_lse_kernel(scores_ref, rel_ref, lse_ref, idx_ref):
    pid = pl.program_id(0)

    row_i = jax.lax.broadcasted_iota(jnp.int32, (_K, _T), 0)
    tcol_j = jax.lax.broadcasted_iota(jnp.int32, (_K, _T), 1)
    target_col = row_i + (_T - _K)
    sel = tcol_j == target_col
    lane0 = jax.lax.broadcasted_iota(jnp.int32, (1, 16), 1) == 0

    acc = jnp.zeros((1, 1), jnp.float32)
    for row in range(_R):
        s = scores_ref[row:row + 1, :]
        r_head = rel_ref[row:row + 1, : _N - _T]
        r_tail = rel_ref[row:row + 1, _N - _T:]

        mx = jnp.max(s, axis=1, keepdims=True)
        acc = acc + mx + jnp.log(jnp.sum(jnp.exp(s - mx), axis=1, keepdims=True))

        v = jnp.sum(jnp.where(sel, r_tail, 0.0), axis=1, keepdims=True)

        head_cnt = jnp.sum(jnp.where(r_head <= v, 1.0, 0.0),
                           axis=1, keepdims=True)
        hit = (r_tail < v) | ((r_tail == v) & (tcol_j < target_col))
        tail_cnt = jnp.sum(jnp.where(hit, 1.0, 0.0), axis=1, keepdims=True)
        ranks = head_cnt + tail_cnt

        gbase = (pid * _R + row) * _N
        gidx = ranks.astype(jnp.int32) + gbase
        idx_ref[row * _K:(row + 1) * _K, :] = gidx

    @pl.when(pid == 0)
    def _():
        lse_ref[...] = jnp.zeros_like(lse_ref)

    lse_ref[...] += jnp.where(lane0, acc * (1.0 / _B), 0.0)


def _sc_gather_dot(scores_hbm, idx_hbm, lse_hbm, out_hbm,
                   idx_v, vals_v, part_v, tmp_v, lse_v, out_v, shared, sem):
    sid = lax.axis_index("s")
    base = sid * _IPW
    pltpu.sync_copy(idx_hbm.at[pl.ds(base, _IPW)], idx_v)
    pltpu.async_copy(scores_hbm.at[idx_v], vals_v, sem).wait()

    lane = lax.iota(jnp.int32, 16).astype(jnp.float32)
    w16 = jnp.exp(lane - float(_K - 1))

    vsum = jnp.zeros((16,), jnp.float32)
    for c in range(_IPW // 16):
        vsum = vsum + vals_v[pl.ds(c * 16, 16)]
    part_v[...] = vsum * w16
    pltpu.sync_copy(part_v, shared.at[sid])
    plsc.subcore_barrier()

    @pl.when(sid == 0)
    def _():
        acc = jnp.zeros((16,), jnp.float32)
        for i in range(_NW):
            pltpu.sync_copy(shared.at[i], tmp_v)
            acc = acc + tmp_v[...]
        pltpu.sync_copy(lse_hbm, lse_v)
        out_v[...] = lse_v[...] - acc * (1.0 / (_Z * _B))
        pltpu.sync_copy(out_v, out_hbm)


def kernel(scores, relevance):
    lse16, gidx = pl.pallas_call(
        _rank_lse_kernel,
        grid=(_B // _R,),
        in_specs=[
            pl.BlockSpec((_R, _N), lambda i: (i, 0)),
            pl.BlockSpec((_R, _N), lambda i: (i, 0)),
        ],
        out_specs=[
            pl.BlockSpec((1, 16), lambda i: (0, 0)),
            pl.BlockSpec((_R * _K, 1), lambda i: (i, 0)),
        ],
        out_shape=[
            jax.ShapeDtypeStruct((1, 16), jnp.float32),
            jax.ShapeDtypeStruct((_B * _K, 1), jnp.int32),
        ],
    )(scores, relevance)

    sc_gather = functools.partial(
        pl.kernel,
        mesh=plsc.VectorSubcoreMesh(core_axis_name="c", subcore_axis_name="s",
                                    num_cores=1),
        out_type=jax.ShapeDtypeStruct((16,), jnp.float32),
        scratch_types=[
            pltpu.VMEM((_IPW,), jnp.int32),
            pltpu.VMEM((_IPW,), jnp.float32),
            pltpu.VMEM((16,), jnp.float32),
            pltpu.VMEM((16,), jnp.float32),
            pltpu.VMEM((16,), jnp.float32),
            pltpu.VMEM((16,), jnp.float32),
            pltpu.VMEM_SHARED((_NW, 16), jnp.float32),
            pltpu.SemaphoreType.DMA,
        ],
    )(_sc_gather_dot)
    out16 = sc_gather(scores.reshape(_B * _N), gidx.reshape(_B * _K),
                      lse16.reshape(16))
    return jnp.sum(out16)

# --- scband reference (transcript-rebuilt; emitter-appended) ---
"""Pipeline reference for scband-ranking-cross-entropy-loss-84731114815779 (READ-ONLY COPY).

The authoritative reference and input builder live on the scoring server;
editing this copy changes nothing except your own understanding.
"""

import jax, jax.numpy as jnp
import numpy as np

TEMPERATURE = 1.0


def get_ranking_from_relevance(relevance):
    B, N = relevance.shape
    ar = jnp.arange(N, dtype=relevance.dtype)
    batch_indices = jnp.arange(B)[:, None]
    sorted_indices = jnp.argsort(-relevance, axis=-1, stable=True)
    ranks = jnp.zeros_like(relevance).at[batch_indices, sorted_indices].set(ar)
    flipped = jnp.flip(relevance, axis=-1)
    sorted_indices_f = jnp.argsort(-flipped, axis=-1, stable=True)
    ranks_flipped = jnp.zeros_like(relevance).at[batch_indices, sorted_indices_f].set(ar)
    ranks = (ranks + jnp.flip(ranks_flipped, axis=-1)) / 2
    ranks = jnp.where(relevance == 0, jnp.inf, ranks)
    return ranks


def setup_inputs(seed: int = 0) -> dict:
    key = jax.random.key(seed)
    k1, k2 = jax.random.split(key)
    scores = jax.random.normal(k1, (128, 8192), dtype=jnp.float32)
    relevance = jax.random.uniform(k2, (128, 8192), dtype=jnp.float32)
    return {"scores": scores, "relevance": relevance}


def reference(scores, relevance):
    rel = jnp.argsort(relevance, axis=-1).astype(scores.dtype)
    target_rankings = get_ranking_from_relevance(rel)
    target_rankings = TEMPERATURE * target_rankings
    target_distribution = jax.nn.softmax(-target_rankings, axis=-1)
    logp = jax.nn.log_softmax(scores, axis=-1)
    loss = jnp.mean(-jnp.sum(target_distribution * logp, axis=-1))
    return loss

if __name__ == "__main__":
    import jax
    _d = setup_inputs()
    print(jax.jit(kernel)(*tuple(_d.values())))

</pallas_src>

<mosaic_0001>
#map = affine_map<(d0, d1) -> (0)>
module attributes {stable_mosaic.version = 14 : i64} {
  func.func @_sc_gather_dot(%arg0: i32, %arg1: i32, %arg2: memref<1048576xf32, #tpu.memory_space<hbm>>, %arg3: memref<2048xi32, #tpu.memory_space<hbm>>, %arg4: memref<16xf32, #tpu.memory_space<hbm>>, %arg5: memref<16xf32, #tpu.memory_space<hbm>>, %arg6: memref<128xi32, #tpu.memory_space<vmem>>, %arg7: memref<128xf32, #tpu.memory_space<vmem>>, %arg8: memref<16xf32, #tpu.memory_space<vmem>>, %arg9: memref<16xf32, #tpu.memory_space<vmem>>, %arg10: memref<16xf32, #tpu.memory_space<vmem>>, %arg11: memref<16xf32, #tpu.memory_space<vmem>>, %arg12: memref<16x16xf32, #tpu.memory_space<vmem_shared>>, %arg13: memref<!tpu.dma_semaphore, #tpu.memory_space<semaphore_mem>>) attributes {dimension_semantics = [#tpu.dimension_semantics<core_parallel>, #tpu.dimension_semantics<subcore_parallel>], iteration_bounds = array<i64: 1, 16>, scalar_prefetch = 0 : i64, scratch_operands = 8 : i64, tpu.core_type = #tpu.core_type<sc_vector_subcore>, window_params = [{transform_indices = #map}, {transform_indices = #map}, {transform_indices = #map}, {transform_indices = #map}]} {
    %mul3A = arith.constant 128 : i32
    %mul3A_0 = arith.muli %arg1, %mul3A : i32
    "tpu.region"() ({
      %run_scoped3A = tpu.sem_alloc : memref<!tpu.dma_semaphore, #tpu.memory_space<semaphore_mem>>
      %dma_start3A_43 = tpu.memref_slice %arg3[%mul3A_0] : memref<2048xi32, #tpu.memory_space<hbm>> -> memref<128xi32, #tpu.memory_space<hbm>>
      %dma_start3A_44 = tpu.memref_slice %arg3[%mul3A_0] : memref<2048xi32, #tpu.memory_space<hbm>> -> memref<128xi32, #tpu.memory_space<hbm>>
      tpu.enqueue_dma source(%dma_start3A_44 : memref<128xi32, #tpu.memory_space<hbm>>) target(%arg6 : memref<128xi32, #tpu.memory_space<vmem>>) target_semaphore(%run_scoped3A : memref<!tpu.dma_semaphore, #tpu.memory_space<semaphore_mem>>)
      %dma_wait3A_45 = tpu.memref_slice %arg3[%mul3A_0] : memref<2048xi32, #tpu.memory_space<hbm>> -> memref<128xi32, #tpu.memory_space<hbm>>
      %dma_wait3A_46 = tpu.memref_slice %arg3[%mul3A_0] : memref<2048xi32, #tpu.memory_space<hbm>> -> memref<128xi32, #tpu.memory_space<hbm>>
      tpu.wait_dma2 semaphore(%run_scoped3A : memref<!tpu.dma_semaphore, #tpu.memory_space<semaphore_mem>>) src(%dma_wait3A_46 : memref<128xi32, #tpu.memory_space<hbm>>) dst(%arg6 : memref<128xi32, #tpu.memory_space<vmem>>)
      tpu.yield
    }) : () -> ()
    %dma_start3A = arith.constant 0 : i32
    %dma_start3A_1 = tpu.memref_slice %arg2[%dma_start3A] : memref<1048576xf32, #tpu.memory_space<hbm>> -> memref<1048576xf32, #tpu.memory_space<hbm>>
    tpu.enqueue_indirect_dma source(%dma_start3A_1 : memref<1048576xf32, #tpu.memory_space<hbm>>) target(%arg7 : memref<128xf32, #tpu.memory_space<vmem>>) offsets(%arg6 : memref<128xi32, #tpu.memory_space<vmem>>) semaphore(%arg13 : memref<!tpu.dma_semaphore, #tpu.memory_space<semaphore_mem>>)
    %dma_wait3A = arith.constant 0 : i32
    %dma_wait3A_2 = tpu.memref_slice %arg2[%dma_wait3A] : memref<1048576xf32, #tpu.memory_space<hbm>> -> memref<1048576xf32, #tpu.memory_space<hbm>>
    tpu.wait_indirect_dma semaphore(%arg13 : memref<!tpu.dma_semaphore, #tpu.memory_space<semaphore_mem>>) src(%dma_wait3A_2 : memref<1048576xf32, #tpu.memory_space<hbm>>) dst(%arg7 : memref<128xf32, #tpu.memory_space<vmem>>)
    %iota3A = tpu.iota {dimensions = array<i32: 0>} : vector<16xi32>
    %convert_element_type3A = arith.sitofp %iota3A : vector<16xi32> to vector<16xf32>
    %sub3A = arith.constant 1.500000e+01 : f32
    %sub3A_3 = vector.broadcast %sub3A : f32 to vector<16xf32>
    %sub3A_4 = arith.subf %convert_element_type3A, %sub3A_3 : vector<16xf32>
    %exp3A = math.exp %sub3A_4 : vector<16xf32>
    %broadcast_in_dim3A = arith.constant 0.000000e+00 : f32
    %broadcast_in_dim3A_5 = vector.broadcast %broadcast_in_dim3A : f32 to vector<16xf32>
    %get3A = arith.constant 0 : index
    %get3A_6 = tpu.vector_load %arg7[%get3A] {strides = array<i32>} : memref<128xf32, #tpu.memory_space<vmem>>, vector<16xf32>,
    %get3A_7 = vector.shape_cast %get3A_6 : vector<16xf32> to vector<16xf32>
    %add3A = arith.addf %broadcast_in_dim3A_5, %get3A_7 : vector<16xf32>
    %get3A_8 = arith.constant 16 : index
    %get3A_9 = tpu.vector_load %arg7[%get3A_8] {strides = array<i32>} : memref<128xf32, #tpu.memory_space<vmem>>, vector<16xf32>,
    %get3A_10 = vector.shape_cast %get3A_9 : vector<16xf32> to vector<16xf32>
    %add3A_11 = arith.addf %add3A, %get3A_10 : vector<16xf32>
    %get3A_12 = arith.constant 32 : index
    %get3A_13 = tpu.vector_load %arg7[%get3A_12] {strides = array<i32>} : memref<128xf32, #tpu.memory_space<vmem>>, vector<16xf32>,
    %get3A_14 = vector.shape_cast %get3A_13 : vector<16xf32> to vector<16xf32>
    %add3A_15 = arith.addf %add3A_11, %get3A_14 : vector<16xf32>
    %get3A_16 = arith.constant 48 : index
    %get3A_17 = tpu.vector_load %arg7[%get3A_16] {strides = array<i32>} : memref<128xf32, #tpu.memory_space<vmem>>, vector<16xf32>,
    %get3A_18 = vector.shape_cast %get3A_17 : vector<16xf32> to vector<16xf32>
    %add3A_19 = arith.addf %add3A_15, %get3A_18 : vector<16xf32>
    %get3A_20 = arith.constant 64 : index
    %get3A_21 = tpu.vector_load %arg7[%get3A_20] {strides = array<i32>} : memref<128xf32, #tpu.memory_space<vmem>>, vector<16xf32>,
    %get3A_22 = vector.shape_cast %get3A_21 : vector<16xf32> to vector<16xf32>
    %add3A_23 = arith.addf %add3A_19, %get3A_22 : vector<16xf32>
    %get3A_24 = arith.constant 80 : index
    %get3A_25 = tpu.vector_load %arg7[%get3A_24] {strides = array<i32>} : memref<128xf32, #tpu.memory_space<vmem>>, vector<16xf32>,
    %get3A_26 = vector.shape_cast %get3A_25 : vector<16xf32> to vector<16xf32>
    %add3A_27 = arith.addf %add3A_23, %get3A_26 : vector<16xf32>
    %get3A_28 = arith.constant 96 : index
    %get3A_29 = tpu.vector_load %arg7[%get3A_28] {strides = array<i32>} : memref<128xf32, #tpu.memory_space<vmem>>, vector<16xf32>,
    %get3A_30 = vector.shape_cast %get3A_29 : vector<16xf32> to vector<16xf32>
    %add3A_31 = arith.addf %add3A_27, %get3A_30 : vector<16xf32>
    %get3A_32 = arith.constant 112 : index
    %get3A_33 = tpu.vector_load %arg7[%get3A_32] {strides = array<i32>} : memref<128xf32, #tpu.memory_space<vmem>>, vector<16xf32>,
    %get3A_34 = vector.shape_cast %get3A_33 : vector<16xf32> to vector<16xf32>
    %add3A_35 = arith.addf %add3A_31, %get3A_34 : vector<16xf32>
    %mul3A_36 = arith.mulf %add3A_35, %exp3A : vector<16xf32>
    %swap3A = arith.constant 0 : index
    %swap3A_37 = tpu.vector_load %arg8[%swap3A] {strides = array<i32>} : memref<16xf32, #tpu.memory_space<vmem>>, vector<16xf32>,
    %swap3A_38 = vector.shape_cast %swap3A_37 : vector<16xf32> to vector<16xf32>
    %swap3A_39 = vector.shape_cast %mul3A_36 : vector<16xf32> to vector<16xf32>
    tpu.vector_store %arg8[%swap3A], %swap3A_39 {strides = array<i32>} : memref<16xf32, #tpu.memory_space<vmem>>, vector<16xf32>,
    "tpu.region"() ({
      %run_scoped3A = tpu.sem_alloc : memref<!tpu.dma_semaphore, #tpu.memory_space<semaphore_mem>>
      %dma_start3A_43 = arith.constant 0 : i32
      %dma_start3A_44 = tpu.memref_slice %arg12[%arg1, %dma_start3A_43] : memref<16x16xf32, #tpu.memory_space<vmem_shared>> -> memref<1x16xf32, #tpu.memory_space<vmem_shared>>
      %dma_start3A_45 = tpu.memref_squeeze %dma_start3A_44 : memref<1x16xf32, #tpu.memory_space<vmem_shared>> -> memref<16xf32, #tpu.memory_space<vmem_shared>>
      %dma_start3A_46 = arith.constant 0 : i32
      %dma_start3A_47 = tpu.memref_slice %arg12[%arg1, %dma_start3A_46] : memref<16x16xf32, #tpu.memory_space<vmem_shared>> -> memref<1x16xf32, #tpu.memory_space<vmem_shared>>
      %dma_start3A_48 = tpu.memref_squeeze %dma_start3A_47 : memref<1x16xf32, #tpu.memory_space<vmem_shared>> -> memref<16xf32, #tpu.memory_space<vmem_shared>>
      tpu.enqueue_dma source(%arg8 : memref<16xf32, #tpu.memory_space<vmem>>) target(%dma_start3A_48 : memref<16xf32, #tpu.memory_space<vmem_shared>>) target_semaphore(%run_scoped3A : memref<!tpu.dma_semaphore, #tpu.memory_space<semaphore_mem>>)
      %dma_wait3A_49 = arith.constant 0 : i32
      %dma_wait3A_50 = tpu.memref_slice %arg12[%arg1, %dma_wait3A_49] : memref<16x16xf32, #tpu.memory_space<vmem_shared>> -> memref<1x16xf32, #tpu.memory_space<vmem_shared>>
      %dma_wait3A_51 = tpu.memref_squeeze %dma_wait3A_50 : memref<1x16xf32, #tpu.memory_space<vmem_shared>> -> memref<16xf32, #tpu.memory_space<vmem_shared>>
      %dma_wait3A_52 = arith.constant 0 : i32
      %dma_wait3A_53 = tpu.memref_slice %arg12[%arg1, %dma_wait3A_52] : memref<16x16xf32, #tpu.memory_space<vmem_shared>> -> memref<1x16xf32, #tpu.memory_space<vmem_shared>>
      %dma_wait3A_54 = tpu.memref_squeeze %dma_wait3A_53 : memref<1x16xf32, #tpu.memory_space<vmem_shared>> -> memref<16xf32, #tpu.memory_space<vmem_shared>>
      tpu.wait_dma2 semaphore(%run_scoped3A : memref<!tpu.dma_semaphore, #tpu.memory_space<semaphore_mem>>) src(%arg8 : memref<16xf32, #tpu.memory_space<vmem>>) dst(%dma_wait3A_54 : memref<16xf32, #tpu.memory_space<vmem_shared>>)
      tpu.yield
    }) : () -> ()
    %barrier3A = arith.constant 0 : index
    tpu.barrier barrier_id(%barrier3A)
    %eq3A = arith.constant 0 : i32
    %eq3A_40 = arith.cmpi eq, %arg1, %eq3A : i32
    %convert_element_type3A_41 = arith.extui %eq3A_40 : i1 to i32
    %cond3A = arith.constant 0 : i32
    %cond3A_42 = arith.cmpi ne, %convert_element_type3A_41, %cond3A : i32
    scf.if %cond3A_42 {
      %broadcast_in_dim3A_43 = arith.constant 0.000000e+00 : f32
      %broadcast_in_dim3A_44 = vector.broadcast %broadcast_in_dim3A_43 : f32 to vector<16xf32>
      %run_scoped3A = arith.constant 0 : i32
      "tpu.region"() ({
        %run_scoped3A_135 = tpu.sem_alloc : memref<!tpu.dma_semaphore, #tpu.memory_space<semaphore_mem>>
        %dma_start3A_136 = arith.constant 0 : i32
        %dma_start3A_137 = tpu.memref_slice %arg12[%run_scoped3A, %dma_start3A_136] : memref<16x16xf32, #tpu.memory_space<vmem_shared>> -> memref<1x16xf32, #tpu.memory_space<vmem_shared>>
        %dma_start3A_138 = tpu.memref_squeeze %dma_start3A_137 : memref<1x16xf32, #tpu.memory_space<vmem_shared>> -> memref<16xf32, #tpu.memory_space<vmem_shared>>
        %dma_start3A_139 = arith.constant 0 : i32
        %dma_start3A_140 = tpu.memref_slice %arg12[%run_scoped3A, %dma_start3A_139] : memref<16x16xf32, #tpu.memory_space<vmem_shared>> -> memref<1x16xf32, #tpu.memory_space<vmem_shared>>
        %dma_start3A_141 = tpu.memref_squeeze %dma_start3A_140 : memref<1x16xf32, #tpu.memory_space<vmem_shared>> -> memref<16xf32, #tpu.memory_space<vmem_shared>>
        tpu.enqueue_dma source(%dma_start3A_141 : memref<16xf32, #tpu.memory_space<vmem_shared>>) target(%arg9 : memref<16xf32, #tpu.memory_space<vmem>>) target_semaphore(%run_scoped3A_135 : memref<!tpu.dma_semaphore, #tpu.memory_space<semaphore_mem>>)
        %dma_wait3A_142 = arith.constant 0 : i32
        %dma_wait3A_143 = tpu.memref_slice %arg12[%run_scoped3A, %dma_wait3A_142] : memref<16x16xf32, #tpu.memory_space<vmem_shared>> -> memref<1x16xf32, #tpu.memory_space<vmem_shared>>
        %dma_wait3A_144 = tpu.memref_squeeze %dma_wait3A_143 : memref<1x16xf32, #tpu.memory_space<vmem_shared>> -> memref<16xf32, #tpu.memory_space<vmem_shared>>
        %dma_wait3A_145 = arith.constant 0 : i32
        %dma_wait3A_146 = tpu.memref_slice %arg12[%run_scoped3A, %dma_wait3A_145] : memref<16x16xf32, #tpu.memory_space<vmem_shared>> -> memref<1x16xf32, #tpu.memory_space<vmem_shared>>
        %dma_wait3A_147 = tpu.memref_squeeze %dma_wait3A_146 : memref<1x16xf32, #tpu.memory_space<vmem_shared>> -> memref<16xf32, #tpu.memory_space<vmem_shared>>
        tpu.wait_dma2 semaphore(%run_scoped3A_135 : memref<!tpu.dma_semaphore, #tpu.memory_space<semaphore_mem>>) src(%dma_wait3A_147 : memref<16xf32, #tpu.memory_space<vmem_shared>>) dst(%arg9 : memref<16xf32, #tpu.memory_space<vmem>>)
        tpu.yield
      }) : () -> ()
      %get3A_45 = arith.constant 0 : index
      %get3A_46 = tpu.vector_load %arg9[%get3A_45] {strides = array<i32>} : memref<16xf32, #tpu.memory_space<vmem>>, vector<16xf32>,
      %get3A_47 = vector.shape_cast %get3A_46 : vector<16xf32> to vector<16xf32>
      %add3A_48 = arith.addf %broadcast_in_dim3A_44, %get3A_47 : vector<16xf32>
      %run_scoped3A_49 = arith.constant 1 : i32
      "tpu.region"() ({
        %run_scoped3A_135 = tpu.sem_alloc : memref<!tpu.dma_semaphore, #tpu.memory_space<semaphore_mem>>
        %dma_start3A_136 = arith.constant 0 : i32
        %dma_start3A_137 = tpu.memref_slice %arg12[%run_scoped3A_49, %dma_start3A_136] : memref<16x16xf32, #tpu.memory_space<vmem_shared>> -> memref<1x16xf32, #tpu.memory_space<vmem_shared>>
        %dma_start3A_138 = tpu.memref_squeeze %dma_start3A_137 : memref<1x16xf32, #tpu.memory_space<vmem_shared>> -> memref<16xf32, #tpu.memory_space<vmem_shared>>
        %dma_start3A_139 = arith.constant 0 : i32
        %dma_start3A_140 = tpu.memref_slice %arg12[%run_scoped3A_49, %dma_start3A_139] : memref<16x16xf32, #tpu.memory_space<vmem_shared>> -> memref<1x16xf32, #tpu.memory_space<vmem_shared>>
        %dma_start3A_141 = tpu.memref_squeeze %dma_start3A_140 : memref<1x16xf32, #tpu.memory_space<vmem_shared>> -> memref<16xf32, #tpu.memory_space<vmem_shared>>
        tpu.enqueue_dma source(%dma_start3A_141 : memref<16xf32, #tpu.memory_space<vmem_shared>>) target(%arg9 : memref<16xf32, #tpu.memory_space<vmem>>) target_semaphore(%run_scoped3A_135 : memref<!tpu.dma_semaphore, #tpu.memory_space<semaphore_mem>>)
        %dma_wait3A_142 = arith.constant 0 : i32
        %dma_wait3A_143 = tpu.memref_slice %arg12[%run_scoped3A_49, %dma_wait3A_142] : memref<16x16xf32, #tpu.memory_space<vmem_shared>> -> memref<1x16xf32, #tpu.memory_space<vmem_shared>>
        %dma_wait3A_144 = tpu.memref_squeeze %dma_wait3A_143 : memref<1x16xf32, #tpu.memory_space<vmem_shared>> -> memref<16xf32, #tpu.memory_space<vmem_shared>>
        %dma_wait3A_145 = arith.constant 0 : i32
        %dma_wait3A_146 = tpu.memref_slice %arg12[%run_scoped3A_49, %dma_wait3A_145] : memref<16x16xf32, #tpu.memory_space<vmem_shared>> -> memref<1x16xf32, #tpu.memory_space<vmem_shared>>
        %dma_wait3A_147 = tpu.memref_squeeze %dma_wait3A_146 : memref<1x16xf32, #tpu.memory_space<vmem_shared>> -> memref<16xf32, #tpu.memory_space<vmem_shared>>
        tpu.wait_dma2 semaphore(%run_scoped3A_135 : memref<!tpu.dma_semaphore, #tpu.memory_space<semaphore_mem>>) src(%dma_wait3A_147 : memref<16xf32, #tpu.memory_space<vmem_shared>>) dst(%arg9 : memref<16xf32, #tpu.memory_space<vmem>>)
        tpu.yield
      }) : () -> ()
      %get3A_50 = arith.constant 0 : index
      %get3A_51 = tpu.vector_load %arg9[%get3A_50] {strides = array<i32>} : memref<16xf32, #tpu.memory_space<vmem>>, vector<16xf32>,
      %get3A_52 = vector.shape_cast %get3A_51 : vector<16xf32> to vector<16xf32>
      %add3A_53 = arith.addf %add3A_48, %get3A_52 : vector<16xf32>
      %run_scoped3A_54 = arith.constant 2 : i32
      "tpu.region"() ({
        %run_scoped3A_135 = tpu.sem_alloc : memref<!tpu.dma_semaphore, #tpu.memory_space<semaphore_mem>>
        %dma_start3A_136 = arith.constant 0 : i32
        %dma_start3A_137 = tpu.memref_slice %arg12[%run_scoped3A_54, %dma_start3A_136] : memref<16x16xf32, #tpu.memory_space<vmem_shared>> -> memref<1x16xf32, #tpu.memory_space<vmem_shared>>
        %dma_start3A_138 = tpu.memref_squeeze %dma_start3A_137 : memref<1x16xf32, #tpu.memory_space<vmem_shared>> -> memref<16xf32, #tpu.memory_space<vmem_shared>>
        %dma_start3A_139 = arith.constant 0 : i32
        %dma_start3A_140 = tpu.memref_slice %arg12[%run_scoped3A_54, %dma_start3A_139] : memref<16x16xf32, #tpu.memory_space<vmem_shared>> -> memref<1x16xf32, #tpu.memory_space<vmem_shared>>
        %dma_start3A_141 = tpu.memref_squeeze %dma_start3A_140 : memref<1x16xf32, #tpu.memory_space<vmem_shared>> -> memref<16xf32, #tpu.memory_space<vmem_shared>>
        tpu.enqueue_dma source(%dma_start3A_141 : memref<16xf32, #tpu.memory_space<vmem_shared>>) target(%arg9 : memref<16xf32, #tpu.memory_space<vmem>>) target_semaphore(%run_scoped3A_135 : memref<!tpu.dma_semaphore, #tpu.memory_space<semaphore_mem>>)
        %dma_wait3A_142 = arith.constant 0 : i32
        %dma_wait3A_143 = tpu.memref_slice %arg12[%run_scoped3A_54, %dma_wait3A_142] : memref<16x16xf32, #tpu.memory_space<vmem_shared>> -> memref<1x16xf32, #tpu.memory_space<vmem_shared>>
        %dma_wait3A_144 = tpu.memref_squeeze %dma_wait3A_143 : memref<1x16xf32, #tpu.memory_space<vmem_shared>> -> memref<16xf32, #tpu.memory_space<vmem_shared>>
        %dma_wait3A_145 = arith.constant 0 : i32
        %dma_wait3A_146 = tpu.memref_slice %arg12[%run_scoped3A_54, %dma_wait3A_145] : memref<16x16xf32, #tpu.memory_space<vmem_shared>> -> memref<1x16xf32, #tpu.memory_space<vmem_shared>>
        %dma_wait3A_147 = tpu.memref_squeeze %dma_wait3A_146 : memref<1x16xf32, #tpu.memory_space<vmem_shared>> -> memref<16xf32, #tpu.memory_space<vmem_shared>>
        tpu.wait_dma2 semaphore(%run_scoped3A_135 : memref<!tpu.dma_semaphore, #tpu.memory_space<semaphore_mem>>) src(%dma_wait3A_147 : memref<16xf32, #tpu.memory_space<vmem_shared>>) dst(%arg9 : memref<16xf32, #tpu.memory_space<vmem>>)
        tpu.yield
      }) : () -> ()
      %get3A_55 = arith.constant 0 : index
      %get3A_56 = tpu.vector_load %arg9[%get3A_55] {strides = array<i32>} : memref<16xf32, #tpu.memory_space<vmem>>, vector<16xf32>,
      %get3A_57 = vector.shape_cast %get3A_56 : vector<16xf32> to vector<16xf32>
      %add3A_58 = arith.addf %add3A_53, %get3A_57 : vector<16xf32>
      %run_scoped3A_59 = arith.constant 3 : i32
      "tpu.region"() ({
        %run_scoped3A_135 = tpu.sem_alloc : memref<!tpu.dma_semaphore, #tpu.memory_space<semaphore_mem>>
        %dma_start3A_136 = arith.constant 0 : i32
        %dma_start3A_137 = tpu.memref_slice %arg12[%run_scoped3A_59, %dma_start3A_136] : memref<16x16xf32, #tpu.memory_space<vmem_shared>> -> memref<1x16xf32, #tpu.memory_space<vmem_shared>>
        %dma_start3A_138 = tpu.memref_squeeze %dma_start3A_137 : memref<1x16xf32, #tpu.memory_space<vmem_shared>> -> memref<16xf32, #tpu.memory_space<vmem_shared>>
        %dma_start3A_139 = arith.constant 0 : i32
        %dma_start3A_140 = tpu.memref_slice %arg12[%run_scoped3A_59, %dma_start3A_139] : memref<16x16xf32, #tpu.memory_space<vmem_shared>> -> memref<1x16xf32, #tpu.memory_space<vmem_shared>>
        %dma_start3A_141 = tpu.memref_squeeze %dma_start3A_140 : memref<1x16xf32, #tpu.memory_space<vmem_shared>> -> memref<16xf32, #tpu.memory_space<vmem_shared>>
        tpu.enqueue_dma source(%dma_start3A_141 : memref<16xf32, #tpu.memory_space<vmem_shared>>) target(%arg9 : memref<16xf32, #tpu.memory_space<vmem>>) target_semaphore(%run_scoped3A_135 : memref<!tpu.dma_semaphore, #tpu.memory_space<semaphore_mem>>)
        %dma_wait3A_142 = arith.constant 0 : i32
        %dma_wait3A_143 = tpu.memref_slice %arg12[%run_scoped3A_59, %dma_wait3A_142] : memref<16x16xf32, #tpu.memory_space<vmem_shared>> -> memref<1x16xf32, #tpu.memory_space<vmem_shared>>
        %dma_wait3A_144 = tpu.memref_squeeze %dma_wait3A_143 : memref<1x16xf32, #tpu.memory_space<vmem_shared>> -> memref<16xf32, #tpu.memory_space<vmem_shared>>
        %dma_wait3A_145 = arith.constant 0 : i32
        %dma_wait3A_146 = tpu.memref_slice %arg12[%run_scoped3A_59, %dma_wait3A_145] : memref<16x16xf32, #tpu.memory_space<vmem_shared>> -> memref<1x16xf32, #tpu.memory_space<vmem_shared>>
        %dma_wait3A_147 = tpu.memref_squeeze %dma_wait3A_146 : memref<1x16xf32, #tpu.memory_space<vmem_shared>> -> memref<16xf32, #tpu.memory_space<vmem_shared>>
        tpu.wait_dma2 semaphore(%run_scoped3A_135 : memref<!tpu.dma_semaphore, #tpu.memory_space<semaphore_mem>>) src(%dma_wait3A_147 : memref<16xf32, #tpu.memory_space<vmem_shared>>) dst(%arg9 : memref<16xf32, #tpu.memory_space<vmem>>)
        tpu.yield
      }) : () -> ()
      %get3A_60 = arith.constant 0 : index
      %get3A_61 = tpu.vector_load %arg9[%get3A_60] {strides = array<i32>} : memref<16xf32, #tpu.memory_space<vmem>>, vector<16xf32>,
      %get3A_62 = vector.shape_cast %get3A_61 : vector<16xf32> to vector<16xf32>
      %add3A_63 = arith.addf %add3A_58, %get3A_62 : vector<16xf32>
      %run_scoped3A_64 = arith.constant 4 : i32
      "tpu.region"() ({
        %run_scoped3A_135 = tpu.sem_alloc : memref<!tpu.dma_semaphore, #tpu.memory_space<semaphore_mem>>
        %dma_start3A_136 = arith.constant 0 : i32
        %dma_start3A_137 = tpu.memref_slice %arg12[%run_scoped3A_64, %dma_start3A_136] : memref<16x16xf32, #tpu.memory_space<vmem_shared>> -> memref<1x16xf32, #tpu.memory_space<vmem_shared>>
        %dma_start3A_138 = tpu.memref_squeeze %dma_start3A_137 : memref<1x16xf32, #tpu.memory_space<vmem_shared>> -> memref<16xf32, #tpu.memory_space<vmem_shared>>
        %dma_start3A_139 = arith.constant 0 : i32
        %dma_start3A_140 = tpu.memref_slice %arg12[%run_scoped3A_64, %dma_start3A_139] : memref<16x16xf32, #tpu.memory_space<vmem_shared>> -> memref<1x16xf32, #tpu.memory_space<vmem_shared>>
        %dma_start3A_141 = tpu.memref_squeeze %dma_start3A_140 : memref<1x16xf32, #tpu.memory_space<vmem_shared>> -> memref<16xf32, #tpu.memory_space<vmem_shared>>
        tpu.enqueue_dma source(%dma_start3A_141 : memref<16xf32, #tpu.memory_space<vmem_shared>>) target(%arg9 : memref<16xf32, #tpu.memory_space<vmem>>) target_semaphore(%run_scoped3A_135 : memref<!tpu.dma_semaphore, #tpu.memory_space<semaphore_mem>>)
        %dma_wait3A_142 = arith.constant 0 : i32
        %dma_wait3A_143 = tpu.memref_slice %arg12[%run_scoped3A_64, %dma_wait3A_142] : memref<16x16xf32, #tpu.memory_space<vmem_shared>> -> memref<1x16xf32, #tpu.memory_space<vmem_shared>>
        %dma_wait3A_144 = tpu.memref_squeeze %dma_wait3A_143 : memref<1x16xf32, #tpu.memory_space<vmem_shared>> -> memref<16xf32, #tpu.memory_space<vmem_shared>>
        %dma_wait3A_145 = arith.constant 0 : i32
        %dma_wait3A_146 = tpu.memref_slice %arg12[%run_scoped3A_64, %dma_wait3A_145] : memref<16x16xf32, #tpu.memory_space<vmem_shared>> -> memref<1x16xf32, #tpu.memory_space<vmem_shared>>
        %dma_wait3A_147 = tpu.memref_squeeze %dma_wait3A_146 : memref<1x16xf32, #tpu.memory_space<vmem_shared>> -> memref<16xf32, #tpu.memory_space<vmem_shared>>
        tpu.wait_dma2 semaphore(%run_scoped3A_135 : memref<!tpu.dma_semaphore, #tpu.memory_space<semaphore_mem>>) src(%dma_wait3A_147 : memref<16xf32, #tpu.memory_space<vmem_shared>>) dst(%arg9 : memref<16xf32, #tpu.memory_space<vmem>>)
        tpu.yield
      }) : () -> ()
      %get3A_65 = arith.constant 0 : index
      %get3A_66 = tpu.vector_load %arg9[%get3A_65] {strides = array<i32>} : memref<16xf32, #tpu.memory_space<vmem>>, vector<16xf32>,
      %get3A_67 = vector.shape_cast %get3A_66 : vector<16xf32> to vector<16xf32>
      %add3A_68 = arith.addf %add3A_63, %get3A_67 : vector<16xf32>
      %run_scoped3A_69 = arith.constant 5 : i32
      "tpu.region"() ({
        %run_scoped3A_135 = tpu.sem_alloc : memref<!tpu.dma_semaphore, #tpu.memory_space<semaphore_mem>>
        %dma_start3A_136 = arith.constant 0 : i32
        %dma_start3A_137 = tpu.memref_slice %arg12[%run_scoped3A_69, %dma_start3A_136] : memref<16x16xf32, #tpu.memory_space<vmem_shared>> -> memref<1x16xf32, #tpu.memory_space<vmem_shared>>
        %dma_start3A_138 = tpu.memref_squeeze %dma_start3A_137 : memref<1x16xf32, #tpu.memory_space<vmem_shared>> -> memref<16xf32, #tpu.memory_space<vmem_shared>>
        %dma_start3A_139 = arith.constant 0 : i32
        %dma_start3A_140 = tpu.memref_slice %arg12[%run_scoped3A_69, %dma_start3A_139] : memref<16x16xf32, #tpu.memory_space<vmem_shared>> -> memref<1x16xf32, #tpu.memory_space<vmem_shared>>
        %dma_start3A_141 = tpu.memref_squeeze %dma_start3A_140 : memref<1x16xf32, #tpu.memory_space<vmem_shared>> -> memref<16xf32, #tpu.memory_space<vmem_shared>>
        tpu.enqueue_dma source(%dma_start3A_141 : memref<16xf32, #tpu.memory_space<vmem_shared>>) target(%arg9 : memref<16xf32, #tpu.memory_space<vmem>>) target_semaphore(%run_scoped3A_135 : memref<!tpu.dma_semaphore, #tpu.memory_space<semaphore_mem>>)
        %dma_wait3A_142 = arith.constant 0 : i32
        %dma_wait3A_143 = tpu.memref_slice %arg12[%run_scoped3A_69, %dma_wait3A_142] : memref<16x16xf32, #tpu.memory_space<vmem_shared>> -> memref<1x16xf32, #tpu.memory_space<vmem_shared>>
        %dma_wait3A_144 = tpu.memref_squeeze %dma_wait3A_143 : memref<1x16xf32, #tpu.memory_space<vmem_shared>> -> memref<16xf32, #tpu.memory_space<vmem_shared>>
        %dma_wait3A_145 = arith.constant 0 : i32
        %dma_wait3A_146 = tpu.memref_slice %arg12[%run_scoped3A_69, %dma_wait3A_145] : memref<16x16xf32, #tpu.memory_space<vmem_shared>> -> memref<1x16xf32, #tpu.memory_space<vmem_shared>>
        %dma_wait3A_147 = tpu.memref_squeeze %dma_wait3A_146 : memref<1x16xf32, #tpu.memory_space<vmem_shared>> -> memref<16xf32, #tpu.memory_space<vmem_shared>>
        tpu.wait_dma2 semaphore(%run_scoped3A_135 : memref<!tpu.dma_semaphore, #tpu.memory_space<semaphore_mem>>) src(%dma_wait3A_147 : memref<16xf32, #tpu.memory_space<vmem_shared>>) dst(%arg9 : memref<16xf32, #tpu.memory_space<vmem>>)
        tpu.yield
      }) : () -> ()
      %get3A_70 = arith.constant 0 : index
      %get3A_71 = tpu.vector_load %arg9[%get3A_70] {strides = array<i32>} : memref<16xf32, #tpu.memory_space<vmem>>, vector<16xf32>,
      %get3A_72 = vector.shape_cast %get3A_71 : vector<16xf32> to vector<16xf32>
      %add3A_73 = arith.addf %add3A_68, %get3A_72 : vector<16xf32>
      %run_scoped3A_74 = arith.constant 6 : i32
      "tpu.region"() ({
        %run_scoped3A_135 = tpu.sem_alloc : memref<!tpu.dma_semaphore, #tpu.memory_space<semaphore_mem>>
        %dma_start3A_136 = arith.constant 0 : i32
        %dma_start3A_137 = tpu.memref_slice %arg12[%run_scoped3A_74, %dma_start3A_136] : memref<16x16xf32, #tpu.memory_space<vmem_shared>> -> memref<1x16xf32, #tpu.memory_space<vmem_shared>>
        %dma_start3A_138 = tpu.memref_squeeze %dma_start3A_137 : memref<1x16xf32, #tpu.memory_space<vmem_shared>> -> memref<16xf32, #tpu.memory_space<vmem_shared>>
        %dma_start3A_139 = arith.constant 0 : i32
        %dma_start3A_140 = tpu.memref_slice %arg12[%run_scoped3A_74, %dma_start3A_139] : memref<16x16xf32, #tpu.memory_space<vmem_shared>> -> memref<1x16xf32, #tpu.memory_space<vmem_shared>>
        %dma_start3A_141 = tpu.memref_squeeze %dma_start3A_140 : memref<1x16xf32, #tpu.memory_space<vmem_shared>> -> memref<16xf32, #tpu.memory_space<vmem_shared>>
        tpu.enqueue_dma source(%dma_start3A_141 : memref<16xf32, #tpu.memory_space<vmem_shared>>) target(%arg9 : memref<16xf32, #tpu.memory_space<vmem>>) target_semaphore(%run_scoped3A_135 : memref<!tpu.dma_semaphore, #tpu.memory_space<semaphore_mem>>)
        %dma_wait3A_142 = arith.constant 0 : i32
        %dma_wait3A_143 = tpu.memref_slice %arg12[%run_scoped3A_74, %dma_wait3A_142] : memref<16x16xf32, #tpu.memory_space<vmem_shared>> -> memref<1x16xf32, #tpu.memory_space<vmem_shared>>
        %dma_wait3A_144 = tpu.memref_squeeze %dma_wait3A_143 : memref<1x16xf32, #tpu.memory_space<vmem_shared>> -> memref<16xf32, #tpu.memory_space<vmem_shared>>
        %dma_wait3A_145 = arith.constant 0 : i32
        %dma_wait3A_146 = tpu.memref_slice %arg12[%run_scoped3A_74, %dma_wait3A_145] : memref<16x16xf32, #tpu.memory_space<vmem_shared>> -> memref<1x16xf32, #tpu.memory_space<vmem_shared>>
        %dma_wait3A_147 = tpu.memref_squeeze %dma_wait3A_146 : memref<1x16xf32, #tpu.memory_space<vmem_shared>> -> memref<16xf32, #tpu.memory_space<vmem_shared>>
        tpu.wait_dma2 semaphore(%run_scoped3A_135 : memref<!tpu.dma_semaphore, #tpu.memory_space<semaphore_mem>>) src(%dma_wait3A_147 : memref<16xf32, #tpu.memory_space<vmem_shared>>) dst(%arg9 : memref<16xf32, #tpu.memory_space<vmem>>)
        tpu.yield
      }) : () -> ()
      %get3A_75 = arith.constant 0 : index
      %get3A_76 = tpu.vector_load %arg9[%get3A_75] {strides = array<i32>} : memref<16xf32, #tpu.memory_space<vmem>>, vector<16xf32>,
      %get3A_77 = vector.shape_cast %get3A_76 : vector<16xf32> to vector<16xf32>
      %add3A_78 = arith.addf %add3A_73, %get3A_77 : vector<16xf32>
      %run_scoped3A_79 = arith.constant 7 : i32
      "tpu.region"() ({
        %run_scoped3A_135 = tpu.sem_alloc : memref<!tpu.dma_semaphore, #tpu.memory_space<semaphore_mem>>
        %dma_start3A_136 = arith.constant 0 : i32
        %dma_start3A_137 = tpu.memref_slice %arg12[%run_scoped3A_79, %dma_start3A_136] : memref<16x16xf32, #tpu.memory_space<vmem_shared>> -> memref<1x16xf32, #tpu.memory_space<vmem_shared>>
        %dma_start3A_138 = tpu.memref_squeeze %dma_start3A_137 : memref<1x16xf32, #tpu.memory_space<vmem_shared>> -> memref<16xf32, #tpu.memory_space<vmem_shared>>
        %dma_start3A_139 = arith.constant 0 : i32
        %dma_start3A_140 = tpu.memref_slice %arg12[%run_scoped3A_79, %dma_start3A_139] : memref<16x16xf32, #tpu.memory_space<vmem_shared>> -> memref<1x16xf32, #tpu.memory_space<vmem_shared>>
        %dma_start3A_141 = tpu.memref_squeeze %dma_start3A_140 : memref<1x16xf32, #tpu.memory_space<vmem_shared>> -> memref<16xf32, #tpu.memory_space<vmem_shared>>
        tpu.enqueue_dma source(%dma_start3A_141 : memref<16xf32, #tpu.memory_space<vmem_shared>>) target(%arg9 : memref<16xf32, #tpu.memory_space<vmem>>) target_semaphore(%run_scoped3A_135 : memref<!tpu.dma_semaphore, #tpu.memory_space<semaphore_mem>>)
        %dma_wait3A_142 = arith.constant 0 : i32
        %dma_wait3A_143 = tpu.memref_slice %arg12[%run_scoped3A_79, %dma_wait3A_142] : memref<16x16xf32, #tpu.memory_space<vmem_shared>> -> memref<1x16xf32, #tpu.memory_space<vmem_shared>>
        %dma_wait3A_144 = tpu.memref_squeeze %dma_wait3A_143 : memref<1x16xf32, #tpu.memory_space<vmem_shared>> -> memref<16xf32, #tpu.memory_space<vmem_shared>>
        %dma_wait3A_145 = arith.constant 0 : i32
        %dma_wait3A_146 = tpu.memref_slice %arg12[%run_scoped3A_79, %dma_wait3A_145] : memref<16x16xf32, #tpu.memory_space<vmem_shared>> -> memref<1x16xf32, #tpu.memory_space<vmem_shared>>
        %dma_wait3A_147 = tpu.memref_squeeze %dma_wait3A_146 : memref<1x16xf32, #tpu.memory_space<vmem_shared>> -> memref<16xf32, #tpu.memory_space<vmem_shared>>
        tpu.wait_dma2 semaphore(%run_scoped3A_135 : memref<!tpu.dma_semaphore, #tpu.memory_space<semaphore_mem>>) src(%dma_wait3A_147 : memref<16xf32, #tpu.memory_space<vmem_shared>>) dst(%arg9 : memref<16xf32, #tpu.memory_space<vmem>>)
        tpu.yield
      }) : () -> ()
      %get3A_80 = arith.constant 0 : index
      %get3A_81 = tpu.vector_load %arg9[%get3A_80] {strides = array<i32>} : memref<16xf32, #tpu.memory_space<vmem>>, vector<16xf32>,
      %get3A_82 = vector.shape_cast %get3A_81 : vector<16xf32> to vector<16xf32>
      %add3A_83 = arith.addf %add3A_78, %get3A_82 : vector<16xf32>
      %run_scoped3A_84 = arith.constant 8 : i32
      "tpu.region"() ({
        %run_scoped3A_135 = tpu.sem_alloc : memref<!tpu.dma_semaphore, #tpu.memory_space<semaphore_mem>>
        %dma_start3A_136 = arith.constant 0 : i32
        %dma_start3A_137 = tpu.memref_slice %arg12[%run_scoped3A_84, %dma_start3A_136] : memref<16x16xf32, #tpu.memory_space<vmem_shared>> -> memref<1x16xf32, #tpu.memory_space<vmem_shared>>
        %dma_start3A_138 = tpu.memref_squeeze %dma_start3A_137 : memref<1x16xf32, #tpu.memory_space<vmem_shared>> -> memref<16xf32, #tpu.memory_space<vmem_shared>>
        %dma_start3A_139 = arith.constant 0 : i32
        %dma_start3A_140 = tpu.memref_slice %arg12[%run_scoped3A_84, %dma_start3A_139] : memref<16x16xf32, #tpu.memory_space<vmem_shared>> -> memref<1x16xf32, #tpu.memory_space<vmem_shared>>
        %dma_start3A_141 = tpu.memref_squeeze %dma_start3A_140 : memref<1x16xf32, #tpu.memory_space<vmem_shared>> -> memref<16xf32, #tpu.memory_space<vmem_shared>>
        tpu.enqueue_dma source(%dma_start3A_141 : memref<16xf32, #tpu.memory_space<vmem_shared>>) target(%arg9 : memref<16xf32, #tpu.memory_space<vmem>>) target_semaphore(%run_scoped3A_135 : memref<!tpu.dma_semaphore, #tpu.memory_space<semaphore_mem>>)
        %dma_wait3A_142 = arith.constant 0 : i32
        %dma_wait3A_143 = tpu.memref_slice %arg12[%run_scoped3A_84, %dma_wait3A_142] : memref<16x16xf32, #tpu.memory_space<vmem_shared>> -> memref<1x16xf32, #tpu.memory_space<vmem_shared>>
        %dma_wait3A_144 = tpu.memref_squeeze %dma_wait3A_143 : memref<1x16xf32, #tpu.memory_space<vmem_shared>> -> memref<16xf32, #tpu.memory_space<vmem_shared>>
        %dma_wait3A_145 = arith.constant 0 : i32
        %dma_wait3A_146 = tpu.memref_slice %arg12[%run_scoped3A_84, %dma_wait3A_145] : memref<16x16xf32, #tpu.memory_space<vmem_shared>> -> memref<1x16xf32, #tpu.memory_space<vmem_shared>>
        %dma_wait3A_147 = tpu.memref_squeeze %dma_wait3A_146 : memref<1x16xf32, #tpu.memory_space<vmem_shared>> -> memref<16xf32, #tpu.memory_space<vmem_shared>>
        tpu.wait_dma2 semaphore(%run_scoped3A_135 : memref<!tpu.dma_semaphore, #tpu.memory_space<semaphore_mem>>) src(%dma_wait3A_147 : memref<16xf32, #tpu.memory_space<vmem_shared>>) dst(%arg9 : memref<16xf32, #tpu.memory_space<vmem>>)
        tpu.yield
      }) : () -> ()
      %get3A_85 = arith.constant 0 : index
      %get3A_86 = tpu.vector_load %arg9[%get3A_85] {strides = array<i32>} : memref<16xf32, #tpu.memory_space<vmem>>, vector<16xf32>,
      %get3A_87 = vector.shape_cast %get3A_86 : vector<16xf32> to vector<16xf32>
      %add3A_88 = arith.addf %add3A_83, %get3A_87 : vector<16xf32>
      %run_scoped3A_89 = arith.constant 9 : i32
      "tpu.region"() ({
        %run_scoped3A_135 = tpu.sem_alloc : memref<!tpu.dma_semaphore, #tpu.memory_space<semaphore_mem>>
        %dma_start3A_136 = arith.constant 0 : i32
        %dma_start3A_137 = tpu.memref_slice %arg12[%run_scoped3A_89, %dma_start3A_136] : memref<16x16xf32, #tpu.memory_space<vmem_shared>> -> memref<1x16xf32, #tpu.memory_space<vmem_shared>>
        %dma_start3A_138 = tpu.memref_squeeze %dma_start3A_137 : memref<1x16xf32, #tpu.memory_space<vmem_shared>> -> memref<16xf32, #tpu.memory_space<vmem_shared>>
        %dma_start3A_139 = arith.constant 0 : i32
        %dma_start3A_140 = tpu.memref_slice %arg12[%run_scoped3A_89, %dma_start3A_139] : memref<16x16xf32, #tpu.memory_space<vmem_shared>> -> memref<1x16xf32, #tpu.memory_space<vmem_shared>>
        %dma_start3A_141 = tpu.memref_squeeze %dma_start3A_140 : memref<1x16xf32, #tpu.memory_space<vmem_shared>> -> memref<16xf32, #tpu.memory_space<vmem_shared>>
        tpu.enqueue_dma source(%dma_start3A_141 : memref<16xf32, #tpu.memory_space<vmem_shared>>) target(%arg9 : memref<16xf32, #tpu.memory_space<vmem>>) target_semaphore(%run_scoped3A_135 : memref<!tpu.dma_semaphore, #tpu.memory_space<semaphore_mem>>)
        %dma_wait3A_142 = arith.constant 0 : i32
        %dma_wait3A_143 = tpu.memref_slice %arg12[%run_scoped3A_89, %dma_wait3A_142] : memref<16x16xf32, #tpu.memory_space<vmem_shared>> -> memref<1x16xf32, #tpu.memory_space<vmem_shared>>
        %dma_wait3A_144 = tpu.memref_squeeze %dma_wait3A_143 : memref<1x16xf32, #tpu.memory_space<vmem_shared>> -> memref<16xf32, #tpu.memory_space<vmem_shared>>
        %dma_wait3A_145 = arith.constant 0 : i32
        %dma_wait3A_146 = tpu.memref_slice %arg12[%run_scoped3A_89, %dma_wait3A_145] : memref<16x16xf32, #tpu.memory_space<vmem_shared>> -> memref<1x16xf32, #tpu.memory_space<vmem_shared>>
        %dma_wait3A_147 = tpu.memref_squeeze %dma_wait3A_146 : memref<1x16xf32, #tpu.memory_space<vmem_shared>> -> memref<16xf32, #tpu.memory_space<vmem_shared>>
        tpu.wait_dma2 semaphore(%run_scoped3A_135 : memref<!tpu.dma_semaphore, #tpu.memory_space<semaphore_mem>>) src(%dma_wait3A_147 : memref<16xf32, #tpu.memory_space<vmem_shared>>) dst(%arg9 : memref<16xf32, #tpu.memory_space<vmem>>)
        tpu.yield
      }) : () -> ()
      %get3A_90 = arith.constant 0 : index
      %get3A_91 = tpu.vector_load %arg9[%get3A_90] {strides = array<i32>} : memref<16xf32, #tpu.memory_space<vmem>>, vector<16xf32>,
      %get3A_92 = vector.shape_cast %get3A_91 : vector<16xf32> to vector<16xf32>
      %add3A_93 = arith.addf %add3A_88, %get3A_92 : vector<16xf32>
      %run_scoped3A_94 = arith.constant 10 : i32
      "tpu.region"() ({
        %run_scoped3A_135 = tpu.sem_alloc : memref<!tpu.dma_semaphore, #tpu.memory_space<semaphore_mem>>
        %dma_start3A_136 = arith.constant 0 : i32
        %dma_start3A_137 = tpu.memref_slice %arg12[%run_scoped3A_94, %dma_start3A_136] : memref<16x16xf32, #tpu.memory_space<vmem_shared>> -> memref<1x16xf32, #tpu.memory_space<vmem_shared>>
        %dma_start3A_138 = tpu.memref_squeeze %dma_start3A_137 : memref<1x16xf32, #tpu.memory_space<vmem_shared>> -> memref<16xf32, #tpu.memory_space<vmem_shared>>
        %dma_start3A_139 = arith.constant 0 : i32
        %dma_start3A_140 = tpu.memref_slice %arg12[%run_scoped3A_94, %dma_start3A_139] : memref<16x16xf32, #tpu.memory_space<vmem_shared>> -> memref<1x16xf32, #tpu.memory_space<vmem_shared>>
        %dma_start3A_141 = tpu.memref_squeeze %dma_start3A_140 : memref<1x16xf32, #tpu.memory_space<vmem_shared>> -> memref<16xf32, #tpu.memory_space<vmem_shared>>
        tpu.enqueue_dma source(%dma_start3A_141 : memref<16xf32, #tpu.memory_space<vmem_shared>>) target(%arg9 : memref<16xf32, #tpu.memory_space<vmem>>) target_semaphore(%run_scoped3A_135 : memref<!tpu.dma_semaphore, #tpu.memory_space<semaphore_mem>>)
        %dma_wait3A_142 = arith.constant 0 : i32
        %dma_wait3A_143 = tpu.memref_slice %arg12[%run_scoped3A_94, %dma_wait3A_142] : memref<16x16xf32, #tpu.memory_space<vmem_shared>> -> memref<1x16xf32, #tpu.memory_space<vmem_shared>>
        %dma_wait3A_144 = tpu.memref_squeeze %dma_wait3A_143 : memref<1x16xf32, #tpu.memory_space<vmem_shared>> -> memref<16xf32, #tpu.memory_space<vmem_shared>>
        %dma_wait3A_145 = arith.constant 0 : i32
        %dma_wait3A_146 = tpu.memref_slice %arg12[%run_scoped3A_94, %dma_wait3A_145] : memref<16x16xf32, #tpu.memory_space<vmem_shared>> -> memref<1x16xf32, #tpu.memory_space<vmem_shared>>
        %dma_wait3A_147 = tpu.memref_squeeze %dma_wait3A_146 : memref<1x16xf32, #tpu.memory_space<vmem_shared>> -> memref<16xf32, #tpu.memory_space<vmem_shared>>
        tpu.wait_dma2 semaphore(%run_scoped3A_135 : memref<!tpu.dma_semaphore, #tpu.memory_space<semaphore_mem>>) src(%dma_wait3A_147 : memref<16xf32, #tpu.memory_space<vmem_shared>>) dst(%arg9 : memref<16xf32, #tpu.memory_space<vmem>>)
        tpu.yield
      }) : () -> ()
      %get3A_95 = arith.constant 0 : index
      %get3A_96 = tpu.vector_load %arg9[%get3A_95] {strides = array<i32>} : memref<16xf32, #tpu.memory_space<vmem>>, vector<16xf32>,
      %get3A_97 = vector.shape_cast %get3A_96 : vector<16xf32> to vector<16xf32>
      %add3A_98 = arith.addf %add3A_93, %get3A_97 : vector<16xf32>
      %run_scoped3A_99 = arith.constant 11 : i32
      "tpu.region"() ({
        %run_scoped3A_135 = tpu.sem_alloc : memref<!tpu.dma_semaphore, #tpu.memory_space<semaphore_mem>>
        %dma_start3A_136 = arith.constant 0 : i32
        %dma_start3A_137 = tpu.memref_slice %arg12[%run_scoped3A_99, %dma_start3A_136] : memref<16x16xf32, #tpu.memory_space<vmem_shared>> -> memref<1x16xf32, #tpu.memory_space<vmem_shared>>
        %dma_start3A_138 = tpu.memref_squeeze %dma_start3A_137 : memref<1x16xf32, #tpu.memory_space<vmem_shared>> -> memref<16xf32, #tpu.memory_space<vmem_shared>>
        %dma_start3A_139 = arith.constant 0 : i32
        %dma_start3A_140 = tpu.memref_slice %arg12[%run_scoped3A_99, %dma_start3A_139] : memref<16x16xf32, #tpu.memory_space<vmem_shared>> -> memref<1x16xf32, #tpu.memory_space<vmem_shared>>
        %dma_start3A_141 = tpu.memref_squeeze %dma_start3A_140 : memref<1x16xf32, #tpu.memory_space<vmem_shared>> -> memref<16xf32, #tpu.memory_space<vmem_shared>>
        tpu.enqueue_dma source(%dma_start3A_141 : memref<16xf32, #tpu.memory_space<vmem_shared>>) target(%arg9 : memref<16xf32, #tpu.memory_space<vmem>>) target_semaphore(%run_scoped3A_135 : memref<!tpu.dma_semaphore, #tpu.memory_space<semaphore_mem>>)
        %dma_wait3A_142 = arith.constant 0 : i32
        %dma_wait3A_143 = tpu.memref_slice %arg12[%run_scoped3A_99, %dma_wait3A_142] : memref<16x16xf32, #tpu.memory_space<vmem_shared>> -> memref<1x16xf32, #tpu.memory_space<vmem_shared>>
        %dma_wait3A_144 = tpu.memref_squeeze %dma_wait3A_143 : memref<1x16xf32, #tpu.memory_space<vmem_shared>> -> memref<16xf32, #tpu.memory_space<vmem_shared>>
        %dma_wait3A_145 = arith.constant 0 : i32
        %dma_wait3A_146 = tpu.memref_slice %arg12[%run_scoped3A_99, %dma_wait3A_145] : memref<16x16xf32, #tpu.memory_space<vmem_shared>> -> memref<1x16xf32, #tpu.memory_space<vmem_shared>>
        %dma_wait3A_147 = tpu.memref_squeeze %dma_wait3A_146 : memref<1x16xf32, #tpu.memory_space<vmem_shared>> -> memref<16xf32, #tpu.memory_space<vmem_shared>>
        tpu.wait_dma2 semaphore(%run_scoped3A_135 : memref<!tpu.dma_semaphore, #tpu.memory_space<semaphore_mem>>) src(%dma_wait3A_147 : memref<16xf32, #tpu.memory_space<vmem_shared>>) dst(%arg9 : memref<16xf32, #tpu.memory_space<vmem>>)
        tpu.yield
      }) : () -> ()
      %get3A_100 = arith.constant 0 : index
      %get3A_101 = tpu.vector_load %arg9[%get3A_100] {strides = array<i32>} : memref<16xf32, #tpu.memory_space<vmem>>, vector<16xf32>,
      %get3A_102 = vector.shape_cast %get3A_101 : vector<16xf32> to vector<16xf32>
      %add3A_103 = arith.addf %add3A_98, %get3A_102 : vector<16xf32>
      %run_scoped3A_104 = arith.constant 12 : i32
      "tpu.region"() ({
        %run_scoped3A_135 = tpu.sem_alloc : memref<!tpu.dma_semaphore, #tpu.memory_space<semaphore_mem>>
        %dma_start3A_136 = arith.constant 0 : i32
        %dma_start3A_137 = tpu.memref_slice %arg12[%run_scoped3A_104, %dma_start3A_136] : memref<16x16xf32, #tpu.memory_space<vmem_shared>> -> memref<1x16xf32, #tpu.memory_space<vmem_shared>>
        %dma_start3A_138 = tpu.memref_squeeze %dma_start3A_137 : memref<1x16xf32, #tpu.memory_space<vmem_shared>> -> memref<16xf32, #tpu.memory_space<vmem_shared>>
        %dma_start3A_139 = arith.constant 0 : i32
        %dma_start3A_140 = tpu.memref_slice %arg12[%run_scoped3A_104, %dma_start3A_139] : memref<16x16xf32, #tpu.memory_space<vmem_shared>> -> memref<1x16xf32, #tpu.memory_space<vmem_shared>>
        %dma_start3A_141 = tpu.memref_squeeze %dma_start3A_140 : memref<1x16xf32, #tpu.memory_space<vmem_shared>> -> memref<16xf32, #tpu.memory_space<vmem_shared>>
        tpu.enqueue_dma source(%dma_start3A_141 : memref<16xf32, #tpu.memory_space<vmem_shared>>) target(%arg9 : memref<16xf32, #tpu.memory_space<vmem>>) target_semaphore(%run_scoped3A_135 : memref<!tpu.dma_semaphore, #tpu.memory_space<semaphore_mem>>)
        %dma_wait3A_142 = arith.constant 0 : i32
        %dma_wait3A_143 = tpu.memref_slice %arg12[%run_scoped3A_104, %dma_wait3A_142] : memref<16x16xf32, #tpu.memory_space<vmem_shared>> -> memref<1x16xf32, #tpu.memory_space<vmem_shared>>
        %dma_wait3A_144 = tpu.memref_squeeze %dma_wait3A_143 : memref<1x16xf32, #tpu.memory_space<vmem_shared>> -> memref<16xf32, #tpu.memory_space<vmem_shared>>
        %dma_wait3A_145 = arith.constant 0 : i32
        %dma_wait3A_146 = tpu.memref_slice %arg12[%run_scoped3A_104, %dma_wait3A_145] : memref<16x16xf32, #tpu.memory_space<vmem_shared>> -> memref<1x16xf32, #tpu.memory_space<vmem_shared>>
        %dma_wait3A_147 = tpu.memref_squeeze %dma_wait3A_146 : memref<1x16xf32, #tpu.memory_space<vmem_shared>> -> memref<16xf32, #tpu.memory_space<vmem_shared>>
        tpu.wait_dma2 semaphore(%run_scoped3A_135 : memref<!tpu.dma_semaphore, #tpu.memory_space<semaphore_mem>>) src(%dma_wait3A_147 : memref<16xf32, #tpu.memory_space<vmem_shared>>) dst(%arg9 : memref<16xf32, #tpu.memory_space<vmem>>)
        tpu.yield
      }) : () -> ()
      %get3A_105 = arith.constant 0 : index
      %get3A_106 = tpu.vector_load %arg9[%get3A_105] {strides = array<i32>} : memref<16xf32, #tpu.memory_space<vmem>>, vector<16xf32>,
      %get3A_107 = vector.shape_cast %get3A_106 : vector<16xf32> to vector<16xf32>
      %add3A_108 = arith.addf %add3A_103, %get3A_107 : vector<16xf32>
      %run_scoped3A_109 = arith.constant 13 : i32
      "tpu.region"() ({
        %run_scoped3A_135 = tpu.sem_alloc : memref<!tpu.dma_semaphore, #tpu.memory_space<semaphore_mem>>
        %dma_start3A_136 = arith.constant 0 : i32
        %dma_start3A_137 = tpu.memref_slice %arg12[%run_scoped3A_109, %dma_start3A_136] : memref<16x16xf32, #tpu.memory_space<vmem_shared>> -> memref<1x16xf32, #tpu.memory_space<vmem_shared>>
        %dma_start3A_138 = tpu.memref_squeeze %dma_start3A_137 : memref<1x16xf32, #tpu.memory_space<vmem_shared>> -> memref<16xf32, #tpu.memory_space<vmem_shared>>
        %dma_start3A_139 = arith.constant 0 : i32
        %dma_start3A_140 = tpu.memref_slice %arg12[%run_scoped3A_109, %dma_start3A_139] : memref<16x16xf32, #tpu.memory_space<vmem_shared>> -> memref<1x16xf32, #tpu.memory_space<vmem_shared>>
        %dma_start3A_141 = tpu.memref_squeeze %dma_start3A_140 : memref<1x16xf32, #tpu.memory_space<vmem_shared>> -> memref<16xf32, #tpu.memory_space<vmem_shared>>
        tpu.enqueue_dma source(%dma_start3A_141 : memref<16xf32, #tpu.memory_space<vmem_shared>>) target(%arg9 : memref<16xf32, #tpu.memory_space<vmem>>) target_semaphore(%run_scoped3A_135 : memref<!tpu.dma_semaphore, #tpu.memory_space<semaphore_mem>>)
        %dma_wait3A_142 = arith.constant 0 : i32
        %dma_wait3A_143 = tpu.memref_slice %arg12[%run_scoped3A_109, %dma_wait3A_142] : memref<16x16xf32, #tpu.memory_space<vmem_shared>> -> memref<1x16xf32, #tpu.memory_space<vmem_shared>>
        %dma_wait3A_144 = tpu.memref_squeeze %dma_wait3A_143 : memref<1x16xf32, #tpu.memory_space<vmem_shared>> -> memref<16xf32, #tpu.memory_space<vmem_shared>>
        %dma_wait3A_145 = arith.constant 0 : i32
        %dma_wait3A_146 = tpu.memref_slice %arg12[%run_scoped3A_109, %dma_wait3A_145] : memref<16x16xf32, #tpu.memory_space<vmem_shared>> -> memref<1x16xf32, #tpu.memory_space<vmem_shared>>
        %dma_wait3A_147 = tpu.memref_squeeze %dma_wait3A_146 : memref<1x16xf32, #tpu.memory_space<vmem_shared>> -> memref<16xf32, #tpu.memory_space<vmem_shared>>
        tpu.wait_dma2 semaphore(%run_scoped3A_135 : memref<!tpu.dma_semaphore, #tpu.memory_space<semaphore_mem>>) src(%dma_wait3A_147 : memref<16xf32, #tpu.memory_space<vmem_shared>>) dst(%arg9 : memref<16xf32, #tpu.memory_space<vmem>>)
        tpu.yield
      }) : () -> ()
      %get3A_110 = arith.constant 0 : index
      %get3A_111 = tpu.vector_load %arg9[%get3A_110] {strides = array<i32>} : memref<16xf32, #tpu.memory_space<vmem>>, vector<16xf32>,
      %get3A_112 = vector.shape_cast %get3A_111 : vector<16xf32> to vector<16xf32>
      %add3A_113 = arith.addf %add3A_108, %get3A_112 : vector<16xf32>
      %run_scoped3A_114 = arith.constant 14 : i32
      "tpu.region"() ({
        %run_scoped3A_135 = tpu.sem_alloc : memref<!tpu.dma_semaphore, #tpu.memory_space<semaphore_mem>>
        %dma_start3A_136 = arith.constant 0 : i32
        %dma_start3A_137 = tpu.memref_slice %arg12[%run_scoped3A_114, %dma_start3A_136] : memref<16x16xf32, #tpu.memory_space<vmem_shared>> -> memref<1x16xf32, #tpu.memory_space<vmem_shared>>
        %dma_start3A_138 = tpu.memref_squeeze %dma_start3A_137 : memref<1x16xf32, #tpu.memory_space<vmem_shared>> -> memref<16xf32, #tpu.memory_space<vmem_shared>>
        %dma_start3A_139 = arith.constant 0 : i32
        %dma_start3A_140 = tpu.memref_slice %arg12[%run_scoped3A_114, %dma_start3A_139] : memref<16x16xf32, #tpu.memory_space<vmem_shared>> -> memref<1x16xf32, #tpu.memory_space<vmem_shared>>
        %dma_start3A_141 = tpu.memref_squeeze %dma_start3A_140 : memref<1x16xf32, #tpu.memory_space<vmem_shared>> -> memref<16xf32, #tpu.memory_space<vmem_shared>>
        tpu.enqueue_dma source(%dma_start3A_141 : memref<16xf32, #tpu.memory_space<vmem_shared>>) target(%arg9 : memref<16xf32, #tpu.memory_space<vmem>>) target_semaphore(%run_scoped3A_135 : memref<!tpu.dma_semaphore, #tpu.memory_space<semaphore_mem>>)
        %dma_wait3A_142 = arith.constant 0 : i32
        %dma_wait3A_143 = tpu.memref_slice %arg12[%run_scoped3A_114, %dma_wait3A_142] : memref<16x16xf32, #tpu.memory_space<vmem_shared>> -> memref<1x16xf32, #tpu.memory_space<vmem_shared>>
        %dma_wait3A_144 = tpu.memref_squeeze %dma_wait3A_143 : memref<1x16xf32, #tpu.memory_space<vmem_shared>> -> memref<16xf32, #tpu.memory_space<vmem_shared>>
        %dma_wait3A_145 = arith.constant 0 : i32
        %dma_wait3A_146 = tpu.memref_slice %arg12[%run_scoped3A_114, %dma_wait3A_145] : memref<16x16xf32, #tpu.memory_space<vmem_shared>> -> memref<1x16xf32, #tpu.memory_space<vmem_shared>>
        %dma_wait3A_147 = tpu.memref_squeeze %dma_wait3A_146 : memref<1x16xf32, #tpu.memory_space<vmem_shared>> -> memref<16xf32, #tpu.memory_space<vmem_shared>>
        tpu.wait_dma2 semaphore(%run_scoped3A_135 : memref<!tpu.dma_semaphore, #tpu.memory_space<semaphore_mem>>) src(%dma_wait3A_147 : memref<16xf32, #tpu.memory_space<vmem_shared>>) dst(%arg9 : memref<16xf32, #tpu.memory_space<vmem>>)
        tpu.yield
      }) : () -> ()
      %get3A_115 = arith.constant 0 : index
      %get3A_116 = tpu.vector_load %arg9[%get3A_115] {strides = array<i32>} : memref<16xf32, #tpu.memory_space<vmem>>, vector<16xf32>,
      %get3A_117 = vector.shape_cast %get3A_116 : vector<16xf32> to vector<16xf32>
      %add3A_118 = arith.addf %add3A_113, %get3A_117 : vector<16xf32>
      %run_scoped3A_119 = arith.constant 15 : i32
      "tpu.region"() ({
        %run_scoped3A_135 = tpu.sem_alloc : memref<!tpu.dma_semaphore, #tpu.memory_space<semaphore_mem>>
        %dma_start3A_136 = arith.constant 0 : i32
        %dma_start3A_137 = tpu.memref_slice %arg12[%run_scoped3A_119, %dma_start3A_136] : memref<16x16xf32, #tpu.memory_space<vmem_shared>> -> memref<1x16xf32, #tpu.memory_space<vmem_shared>>
        %dma_start3A_138 = tpu.memref_squeeze %dma_start3A_137 : memref<1x16xf32, #tpu.memory_space<vmem_shared>> -> memref<16xf32, #tpu.memory_space<vmem_shared>>
        %dma_start3A_139 = arith.constant 0 : i32
        %dma_start3A_140 = tpu.memref_slice %arg12[%run_scoped3A_119, %dma_start3A_139] : memref<16x16xf32, #tpu.memory_space<vmem_shared>> -> memref<1x16xf32, #tpu.memory_space<vmem_shared>>
        %dma_start3A_141 = tpu.memref_squeeze %dma_start3A_140 : memref<1x16xf32, #tpu.memory_space<vmem_shared>> -> memref<16xf32, #tpu.memory_space<vmem_shared>>
        tpu.enqueue_dma source(%dma_start3A_141 : memref<16xf32, #tpu.memory_space<vmem_shared>>) target(%arg9 : memref<16xf32, #tpu.memory_space<vmem>>) target_semaphore(%run_scoped3A_135 : memref<!tpu.dma_semaphore, #tpu.memory_space<semaphore_mem>>)
        %dma_wait3A_142 = arith.constant 0 : i32
        %dma_wait3A_143 = tpu.memref_slice %arg12[%run_scoped3A_119, %dma_wait3A_142] : memref<16x16xf32, #tpu.memory_space<vmem_shared>> -> memref<1x16xf32, #tpu.memory_space<vmem_shared>>
        %dma_wait3A_144 = tpu.memref_squeeze %dma_wait3A_143 : memref<1x16xf32, #tpu.memory_space<vmem_shared>> -> memref<16xf32, #tpu.memory_space<vmem_shared>>
        %dma_wait3A_145 = arith.constant 0 : i32
        %dma_wait3A_146 = tpu.memref_slice %arg12[%run_scoped3A_119, %dma_wait3A_145] : memref<16x16xf32, #tpu.memory_space<vmem_shared>> -> memref<1x16xf32, #tpu.memory_space<vmem_shared>>
        %dma_wait3A_147 = tpu.memref_squeeze %dma_wait3A_146 : memref<1x16xf32, #tpu.memory_space<vmem_shared>> -> memref<16xf32, #tpu.memory_space<vmem_shared>>
        tpu.wait_dma2 semaphore(%run_scoped3A_135 : memref<!tpu.dma_semaphore, #tpu.memory_space<semaphore_mem>>) src(%dma_wait3A_147 : memref<16xf32, #tpu.memory_space<vmem_shared>>) dst(%arg9 : memref<16xf32, #tpu.memory_space<vmem>>)
        tpu.yield
      }) : () -> ()
      %get3A_120 = arith.constant 0 : index
      %get3A_121 = tpu.vector_load %arg9[%get3A_120] {strides = array<i32>} : memref<16xf32, #tpu.memory_space<vmem>>, vector<16xf32>,
      %get3A_122 = vector.shape_cast %get3A_121 : vector<16xf32> to vector<16xf32>
      %add3A_123 = arith.addf %add3A_118, %get3A_122 : vector<16xf32>
      "tpu.region"() ({
        %run_scoped3A_135 = tpu.sem_alloc : memref<!tpu.dma_semaphore, #tpu.memory_space<semaphore_mem>>
        tpu.enqueue_dma source(%arg4 : memref<16xf32, #tpu.memory_space<hbm>>) target(%arg10 : memref<16xf32, #tpu.memory_space<vmem>>) target_semaphore(%run_scoped3A_135 : memref<!tpu.dma_semaphore, #tpu.memory_space<semaphore_mem>>)
        tpu.wait_dma2 semaphore(%run_scoped3A_135 : memref<!tpu.dma_semaphore, #tpu.memory_space<semaphore_mem>>) src(%arg4 : memref<16xf32, #tpu.memory_space<hbm>>) dst(%arg10 : memref<16xf32, #tpu.memory_space<vmem>>)
        tpu.yield
      }) : () -> ()
      %get3A_124 = arith.constant 0 : index
      %get3A_125 = tpu.vector_load %arg10[%get3A_124] {strides = array<i32>} : memref<16xf32, #tpu.memory_space<vmem>>, vector<16xf32>,
      %get3A_126 = vector.shape_cast %get3A_125 : vector<16xf32> to vector<16xf32>
      %mul3A_127 = arith.constant 0.00493844179 : f32
      %mul3A_128 = vector.broadcast %mul3A_127 : f32 to vector<16xf32>
      %mul3A_129 = arith.mulf %add3A_123, %mul3A_128 : vector<16xf32>
      %sub3A_130 = arith.subf %get3A_126, %mul3A_129 : vector<16xf32>
      %swap3A_131 = arith.constant 0 : index
      %swap3A_132 = tpu.vector_load %arg11[%swap3A_131] {strides = array<i32>} : memref<16xf32, #tpu.memory_space<vmem>>, vector<16xf32>,
      %swap3A_133 = vector.shape_cast %swap3A_132 : vector<16xf32> to vector<16xf32>
      %swap3A_134 = vector.shape_cast %sub3A_130 : vector<16xf32> to vector<16xf32>
      tpu.vector_store %arg11[%swap3A_131], %swap3A_134 {strides = array<i32>} : memref<16xf32, #tpu.memory_space<vmem>>, vector<16xf32>,
      "tpu.region"() ({
        %run_scoped3A_135 = tpu.sem_alloc : memref<!tpu.dma_semaphore, #tpu.memory_space<semaphore_mem>>
        tpu.enqueue_dma source(%arg11 : memref<16xf32, #tpu.memory_space<vmem>>) target(%arg5 : memref<16xf32, #tpu.memory_space<hbm>>) target_semaphore(%run_scoped3A_135 : memref<!tpu.dma_semaphore, #tpu.memory_space<semaphore_mem>>)
        tpu.wait_dma2 semaphore(%run_scoped3A_135 : memref<!tpu.dma_semaphore, #tpu.memory_space<semaphore_mem>>) src(%arg11 : memref<16xf32, #tpu.memory_space<vmem>>) dst(%arg5 : memref<16xf32, #tpu.memory_space<hbm>>)
        tpu.yield
      }) : () -> ()
    } else {
    }
    return
  }
}

module attributes {stable_mosaic.version = 14 : i64} {
  func.func @_rank_lse_kernel(%arg0: i32, %arg1: memref<8x8192xf32, #tpu.memory_space<vmem>>, %arg2: memref<8x8192xf32, #tpu.memory_space<vmem>>, %arg3: memref<1x16xf32, #tpu.memory_space<vmem>>, %arg4: memref<128x1xi32, #tpu.memory_space<vmem>>) attributes {dimension_semantics = [#tpu.dimension_semantics<arbitrary>], iteration_bounds = array<i64: 16>, scalar_prefetch = 0 : i64, scratch_operands = 0 : i64, tpu.core_type = #tpu.core_type<tc>, window_params = [{transform_indices = @transform_0, window_bounds = array<i64: 8, 8192>}, {transform_indices = @transform_1, window_bounds = array<i64: 8, 8192>}, {pipeline_mode = #tpu.pipeline_mode<synchronous>, transform_indices = @transform_2, window_bounds = array<i64: 1, 16>}, {transform_indices = @transform_3, window_bounds = array<i64: 128, 1>}]} {
    %iota3A = tpu.iota {dimensions = array<i32: 0>} : vector<16x128xi32>
    %iota3A_0 = tpu.iota {dimensions = array<i32: 1>} : vector<16x128xi32>
    %add3A = arith.constant 112 : i32
    %add3A_1 = vector.broadcast %add3A : i32 to vector<16x128xi32>
    %add3A_2 = arith.addi %iota3A, %add3A_1 : vector<16x128xi32>
    %eq3A = arith.cmpi eq, %iota3A_0, %add3A_2 : vector<16x128xi32>
    %iota3A_3 = tpu.iota {dimensions = array<i32: 1>} : vector<1x16xi32>
    %eq3A_4 = arith.constant 0 : i32
    %eq3A_5 = vector.broadcast %eq3A_4 : i32 to vector<1x16xi32>
    %eq3A_6 = arith.cmpi eq, %iota3A_3, %eq3A_5 : vector<1x16xi32>
    %broadcast_in_dim3A = arith.constant 0.000000e+00 : f32
    %broadcast_in_dim3A_7 = vector.broadcast %broadcast_in_dim3A : f32 to vector<1x1xf32>
    %get3A = arith.constant 0 : index
    %get3A_8 = arith.constant 0 : index
    %get3A_9 = vector.load %arg1[%get3A, %get3A_8] : memref<8x8192xf32, #tpu.memory_space<vmem>>, vector<1x8192xf32>
    %get3A_10 = arith.constant 0 : index
    %get3A_11 = arith.constant 0 : index
    %get3A_12 = vector.load %arg2[%get3A_10, %get3A_11] : memref<8x8192xf32, #tpu.memory_space<vmem>>, vector<1x8064xf32>
    %get3A_13 = arith.constant 0 : index
    %get3A_14 = arith.constant 8064 : index
    %get3A_15 = vector.load %arg2[%get3A_13, %get3A_14] : memref<8x8192xf32, #tpu.memory_space<vmem>>, vector<1x128xf32>
    %reduce_max3A = arith.constant dense<0xFF800000> : vector<1xf32>
    %reduce_max3A_16 = vector.multi_reduction <maximumf>, %get3A_9, %reduce_max3A [1] : vector<1x8192xf32> to vector<1xf32>
    %broadcast_in_dim3A_17 = vector.shape_cast %reduce_max3A_16 : vector<1xf32> to vector<1x1xf32>
    %add3A_18 = arith.addf %broadcast_in_dim3A_7, %broadcast_in_dim3A_17 : vector<1x1xf32>
    %sub3A = vector.broadcast %broadcast_in_dim3A_17 : vector<1x1xf32> to vector<1x8192xf32>
    %sub3A_19 = arith.subf %get3A_9, %sub3A : vector<1x8192xf32>
    %exp3A = math.exp %sub3A_19 : vector<1x8192xf32>
    %reduce_sum3A = arith.constant dense<0.000000e+00> : vector<1xf32>
    %reduce_sum3A_20 = vector.multi_reduction <add>, %exp3A, %reduce_sum3A [1] : vector<1x8192xf32> to vector<1xf32>
    %broadcast_in_dim3A_21 = vector.shape_cast %reduce_sum3A_20 : vector<1xf32> to vector<1x1xf32>
    %log3A = math.log %broadcast_in_dim3A_21 : vector<1x1xf32>
    %add3A_22 = arith.addf %add3A_18, %log3A : vector<1x1xf32>
    %jit3A = arith.constant 0.000000e+00 : f32
    %broadcast_in_dim3A_23 = vector.shape_cast %get3A_15 : vector<1x128xf32> to vector<1x128xf32>
    %broadcast_in_dim3A_24 = vector.broadcast %broadcast_in_dim3A_23 : vector<1x128xf32> to vector<16x128xf32>
    %broadcast_in_dim3A_25 = vector.broadcast %jit3A : f32 to vector<16x128xf32>
    %select_n3A = arith.select %eq3A, %broadcast_in_dim3A_24, %broadcast_in_dim3A_25 : vector<16x128xi1>, vector<16x128xf32>
    %reduce_sum3A_26 = arith.constant dense<0.000000e+00> : vector<16xf32>
    %reduce_sum3A_27 = vector.multi_reduction <add>, %select_n3A, %reduce_sum3A_26 [1] : vector<16x128xf32> to vector<16xf32>
    %broadcast_in_dim3A_28 = vector.shape_cast %reduce_sum3A_27 : vector<16xf32> to vector<16x1xf32>
    %le3A = vector.broadcast %get3A_12 : vector<1x8064xf32> to vector<16x8064xf32>
    %le3A_29 = vector.broadcast %broadcast_in_dim3A_28 : vector<16x1xf32> to vector<16x8064xf32>
    %le3A_30 = arith.cmpf ole, %le3A, %le3A_29 : vector<16x8064xf32>
    %jit3A_31 = arith.constant 1.000000e+00 : f32
    %jit3A_32 = arith.constant 0.000000e+00 : f32
    %broadcast_in_dim3A_33 = vector.broadcast %jit3A_31 : f32 to vector<16x8064xf32>
    %broadcast_in_dim3A_34 = vector.broadcast %jit3A_32 : f32 to vector<16x8064xf32>
    %select_n3A_35 = arith.select %le3A_30, %broadcast_in_dim3A_33, %broadcast_in_dim3A_34 : vector<16x8064xi1>, vector<16x8064xf32>
    %reduce_sum3A_36 = arith.constant dense<0.000000e+00> : vector<16xf32>
    %reduce_sum3A_37 = vector.multi_reduction <add>, %select_n3A_35, %reduce_sum3A_36 [1] : vector<16x8064xf32> to vector<16xf32>
    %broadcast_in_dim3A_38 = vector.shape_cast %reduce_sum3A_37 : vector<16xf32> to vector<16x1xf32>
    %lt3A = vector.broadcast %get3A_15 : vector<1x128xf32> to vector<16x128xf32>
    %lt3A_39 = vector.broadcast %broadcast_in_dim3A_28 : vector<16x1xf32> to vector<16x128xf32>
    %lt3A_40 = arith.cmpf olt, %lt3A, %lt3A_39 : vector<16x128xf32>
    %eq3A_41 = vector.broadcast %get3A_15 : vector<1x128xf32> to vector<16x128xf32>
    %eq3A_42 = vector.broadcast %broadcast_in_dim3A_28 : vector<16x1xf32> to vector<16x128xf32>
    %eq3A_43 = arith.cmpf oeq, %eq3A_41, %eq3A_42 : vector<16x128xf32>
    %lt3A_44 = arith.cmpi slt, %iota3A_0, %add3A_2 : vector<16x128xi32>
    %and3A = arith.andi %eq3A_43, %lt3A_44 : vector<16x128xi1>
    %or3A = arith.ori %lt3A_40, %and3A : vector<16x128xi1>
    %jit3A_45 = arith.constant 1.000000e+00 : f32
    %jit3A_46 = arith.constant 0.000000e+00 : f32
    %broadcast_in_dim3A_47 = vector.broadcast %jit3A_45 : f32 to vector<16x128xf32>
    %broadcast_in_dim3A_48 = vector.broadcast %jit3A_46 : f32 to vector<16x128xf32>
    %select_n3A_49 = arith.select %or3A, %broadcast_in_dim3A_47, %broadcast_in_dim3A_48 : vector<16x128xi1>, vector<16x128xf32>
    %reduce_sum3A_50 = arith.constant dense<0.000000e+00> : vector<16xf32>
    %reduce_sum3A_51 = vector.multi_reduction <add>, %select_n3A_49, %reduce_sum3A_50 [1] : vector<16x128xf32> to vector<16xf32>
    %broadcast_in_dim3A_52 = vector.shape_cast %reduce_sum3A_51 : vector<16xf32> to vector<16x1xf32>
    %add3A_53 = arith.addf %broadcast_in_dim3A_38, %broadcast_in_dim3A_52 : vector<16x1xf32>
    %mul3A = arith.constant 8 : i32
    %mul3A_54 = arith.muli %arg0, %mul3A : i32
    %add3A_55 = arith.constant 0 : i32
    %add3A_56 = arith.addi %mul3A_54, %add3A_55 : i32
    %mul3A_57 = arith.constant 8192 : i32
    %mul3A_58 = arith.muli %add3A_56, %mul3A_57 : i32
    %convert_element_type3A = arith.fptosi %add3A_53 : vector<16x1xf32> to vector<16x1xi32>
    %add3A_59 = vector.broadcast %mul3A_58 : i32 to vector<16x1xi32>
    %add3A_60 = arith.addi %convert_element_type3A, %add3A_59 : vector<16x1xi32>
    %swap3A = arith.constant 0 : index
    %swap3A_61 = arith.constant 0 : index
    %swap3A_62 = vector.load %arg4[%swap3A, %swap3A_61] : memref<128x1xi32, #tpu.memory_space<vmem>>, vector<16x1xi32>
    tpu.vector_store %arg4[%swap3A, %swap3A_61], %add3A_60 {strides = array<i32>} : memref<128x1xi32, #tpu.memory_space<vmem>>, vector<16x1xi32>,
    %get3A_63 = arith.constant 1 : index
    %get3A_64 = arith.constant 0 : index
    %get3A_65 = vector.load %arg1[%get3A_63, %get3A_64] : memref<8x8192xf32, #tpu.memory_space<vmem>>, vector<1x8192xf32>
    %get3A_66 = arith.constant 1 : index
    %get3A_67 = arith.constant 0 : index
    %get3A_68 = vector.load %arg2[%get3A_66, %get3A_67] : memref<8x8192xf32, #tpu.memory_space<vmem>>, vector<1x8064xf32>
    %get3A_69 = arith.constant 1 : index
    %get3A_70 = arith.constant 8064 : index
    %get3A_71 = vector.load %arg2[%get3A_69, %get3A_70] : memref<8x8192xf32, #tpu.memory_space<vmem>>, vector<1x128xf32>
    %reduce_max3A_72 = arith.constant dense<0xFF800000> : vector<1xf32>
    %reduce_max3A_73 = vector.multi_reduction <maximumf>, %get3A_65, %reduce_max3A_72 [1] : vector<1x8192xf32> to vector<1xf32>
    %broadcast_in_dim3A_74 = vector.shape_cast %reduce_max3A_73 : vector<1xf32> to vector<1x1xf32>
    %add3A_75 = arith.addf %add3A_22, %broadcast_in_dim3A_74 : vector<1x1xf32>
    %sub3A_76 = vector.broadcast %broadcast_in_dim3A_74 : vector<1x1xf32> to vector<1x8192xf32>
    %sub3A_77 = arith.subf %get3A_65, %sub3A_76 : vector<1x8192xf32>
    %exp3A_78 = math.exp %sub3A_77 : vector<1x8192xf32>
    %reduce_sum3A_79 = arith.constant dense<0.000000e+00> : vector<1xf32>
    %reduce_sum3A_80 = vector.multi_reduction <add>, %exp3A_78, %reduce_sum3A_79 [1] : vector<1x8192xf32> to vector<1xf32>
    %broadcast_in_dim3A_81 = vector.shape_cast %reduce_sum3A_80 : vector<1xf32> to vector<1x1xf32>
    %log3A_82 = math.log %broadcast_in_dim3A_81 : vector<1x1xf32>
    %add3A_83 = arith.addf %add3A_75, %log3A_82 : vector<1x1xf32>
    %jit3A_84 = arith.constant 0.000000e+00 : f32
    %broadcast_in_dim3A_85 = vector.shape_cast %get3A_71 : vector<1x128xf32> to vector<1x128xf32>
    %broadcast_in_dim3A_86 = vector.broadcast %broadcast_in_dim3A_85 : vector<1x128xf32> to vector<16x128xf32>
    %broadcast_in_dim3A_87 = vector.broadcast %jit3A_84 : f32 to vector<16x128xf32>
    %select_n3A_88 = arith.select %eq3A, %broadcast_in_dim3A_86, %broadcast_in_dim3A_87 : vector<16x128xi1>, vector<16x128xf32>
    %reduce_sum3A_89 = arith.constant dense<0.000000e+00> : vector<16xf32>
    %reduce_sum3A_90 = vector.multi_reduction <add>, %select_n3A_88, %reduce_sum3A_89 [1] : vector<16x128xf32> to vector<16xf32>
    %broadcast_in_dim3A_91 = vector.shape_cast %reduce_sum3A_90 : vector<16xf32> to vector<16x1xf32>
    %le3A_92 = vector.broadcast %get3A_68 : vector<1x8064xf32> to vector<16x8064xf32>
    %le3A_93 = vector.broadcast %broadcast_in_dim3A_91 : vector<16x1xf32> to vector<16x8064xf32>
    %le3A_94 = arith.cmpf ole, %le3A_92, %le3A_93 : vector<16x8064xf32>
    %jit3A_95 = arith.constant 1.000000e+00 : f32
    %jit3A_96 = arith.constant 0.000000e+00 : f32
    %broadcast_in_dim3A_97 = vector.broadcast %jit3A_95 : f32 to vector<16x8064xf32>
    %broadcast_in_dim3A_98 = vector.broadcast %jit3A_96 : f32 to vector<16x8064xf32>
    %select_n3A_99 = arith.select %le3A_94, %broadcast_in_dim3A_97, %broadcast_in_dim3A_98 : vector<16x8064xi1>, vector<16x8064xf32>
    %reduce_sum3A_100 = arith.constant dense<0.000000e+00> : vector<16xf32>
    %reduce_sum3A_101 = vector.multi_reduction <add>, %select_n3A_99, %reduce_sum3A_100 [1] : vector<16x8064xf32> to vector<16xf32>
    %broadcast_in_dim3A_102 = vector.shape_cast %reduce_sum3A_101 : vector<16xf32> to vector<16x1xf32>
    %lt3A_103 = vector.broadcast %get3A_71 : vector<1x128xf32> to vector<16x128xf32>
    %lt3A_104 = vector.broadcast %broadcast_in_dim3A_91 : vector<16x1xf32> to vector<16x128xf32>
    %lt3A_105 = arith.cmpf olt, %lt3A_103, %lt3A_104 : vector<16x128xf32>
    %eq3A_106 = vector.broadcast %get3A_71 : vector<1x128xf32> to vector<16x128xf32>
    %eq3A_107 = vector.broadcast %broadcast_in_dim3A_91 : vector<16x1xf32> to vector<16x128xf32>
    %eq3A_108 = arith.cmpf oeq, %eq3A_106, %eq3A_107 : vector<16x128xf32>
    %lt3A_109 = arith.cmpi slt, %iota3A_0, %add3A_2 : vector<16x128xi32>
    %and3A_110 = arith.andi %eq3A_108, %lt3A_109 : vector<16x128xi1>
    %or3A_111 = arith.ori %lt3A_105, %and3A_110 : vector<16x128xi1>
    %jit3A_112 = arith.constant 1.000000e+00 : f32
    %jit3A_113 = arith.constant 0.000000e+00 : f32
    %broadcast_in_dim3A_114 = vector.broadcast %jit3A_112 : f32 to vector<16x128xf32>
    %broadcast_in_dim3A_115 = vector.broadcast %jit3A_113 : f32 to vector<16x128xf32>
    %select_n3A_116 = arith.select %or3A_111, %broadcast_in_dim3A_114, %broadcast_in_dim3A_115 : vector<16x128xi1>, vector<16x128xf32>
    %reduce_sum3A_117 = arith.constant dense<0.000000e+00> : vector<16xf32>
    %reduce_sum3A_118 = vector.multi_reduction <add>, %select_n3A_116, %reduce_sum3A_117 [1] : vector<16x128xf32> to vector<16xf32>
    %broadcast_in_dim3A_119 = vector.shape_cast %reduce_sum3A_118 : vector<16xf32> to vector<16x1xf32>
    %add3A_120 = arith.addf %broadcast_in_dim3A_102, %broadcast_in_dim3A_119 : vector<16x1xf32>
    %mul3A_121 = arith.constant 8 : i32
    %mul3A_122 = arith.muli %arg0, %mul3A_121 : i32
    %add3A_123 = arith.constant 1 : i32
    %add3A_124 = arith.addi %mul3A_122, %add3A_123 : i32
    %mul3A_125 = arith.constant 8192 : i32
    %mul3A_126 = arith.muli %add3A_124, %mul3A_125 : i32
    %convert_element_type3A_127 = arith.fptosi %add3A_120 : vector<16x1xf32> to vector<16x1xi32>
    %add3A_128 = vector.broadcast %mul3A_126 : i32 to vector<16x1xi32>
    %add3A_129 = arith.addi %convert_element_type3A_127, %add3A_128 : vector<16x1xi32>
    %swap3A_130 = arith.constant 16 : index
    %swap3A_131 = arith.constant 0 : index
    %swap3A_132 = vector.load %arg4[%swap3A_130, %swap3A_131] : memref<128x1xi32, #tpu.memory_space<vmem>>, vector<16x1xi32>
    tpu.vector_store %arg4[%swap3A_130, %swap3A_131], %add3A_129 {strides = array<i32>} : memref<128x1xi32, #tpu.memory_space<vmem>>, vector<16x1xi32>,
    %get3A_133 = arith.constant 2 : index
    %get3A_134 = arith.constant 0 : index
    %get3A_135 = vector.load %arg1[%get3A_133, %get3A_134] : memref<8x8192xf32, #tpu.memory_space<vmem>>, vector<1x8192xf32>
    %get3A_136 = arith.constant 2 : index
    %get3A_137 = arith.constant 0 : index
    %get3A_138 = vector.load %arg2[%get3A_136, %get3A_137] : memref<8x8192xf32, #tpu.memory_space<vmem>>, vector<1x8064xf32>
    %get3A_139 = arith.constant 2 : index
    %get3A_140 = arith.constant 8064 : index
    %get3A_141 = vector.load %arg2[%get3A_139, %get3A_140] : memref<8x8192xf32, #tpu.memory_space<vmem>>, vector<1x128xf32>
    %reduce_max3A_142 = arith.constant dense<0xFF800000> : vector<1xf32>
    %reduce_max3A_143 = vector.multi_reduction <maximumf>, %get3A_135, %reduce_max3A_142 [1] : vector<1x8192xf32> to vector<1xf32>
    %broadcast_in_dim3A_144 = vector.shape_cast %reduce_max3A_143 : vector<1xf32> to vector<1x1xf32>
    %add3A_145 = arith.addf %add3A_83, %broadcast_in_dim3A_144 : vector<1x1xf32>
    %sub3A_146 = vector.broadcast %broadcast_in_dim3A_144 : vector<1x1xf32> to vector<1x8192xf32>
    %sub3A_147 = arith.subf %get3A_135, %sub3A_146 : vector<1x8192xf32>
    %exp3A_148 = math.exp %sub3A_147 : vector<1x8192xf32>
    %reduce_sum3A_149 = arith.constant dense<0.000000e+00> : vector<1xf32>
    %reduce_sum3A_150 = vector.multi_reduction <add>, %exp3A_148, %reduce_sum3A_149 [1] : vector<1x8192xf32> to vector<1xf32>
    %broadcast_in_dim3A_151 = vector.shape_cast %reduce_sum3A_150 : vector<1xf32> to vector<1x1xf32>
    %log3A_152 = math.log %broadcast_in_dim3A_151 : vector<1x1xf32>
    %add3A_153 = arith.addf %add3A_145, %log3A_152 : vector<1x1xf32>
    %jit3A_154 = arith.constant 0.000000e+00 : f32
    %broadcast_in_dim3A_155 = vector.shape_cast %get3A_141 : vector<1x128xf32> to vector<1x128xf32>
    %broadcast_in_dim3A_156 = vector.broadcast %broadcast_in_dim3A_155 : vector<1x128xf32> to vector<16x128xf32>
    %broadcast_in_dim3A_157 = vector.broadcast %jit3A_154 : f32 to vector<16x128xf32>
    %select_n3A_158 = arith.select %eq3A, %broadcast_in_dim3A_156, %broadcast_in_dim3A_157 : vector<16x128xi1>, vector<16x128xf32>
    %reduce_sum3A_159 = arith.constant dense<0.000000e+00> : vector<16xf32>
    %reduce_sum3A_160 = vector.multi_reduction <add>, %select_n3A_158, %reduce_sum3A_159 [1] : vector<16x128xf32> to vector<16xf32>
    %broadcast_in_dim3A_161 = vector.shape_cast %reduce_sum3A_160 : vector<16xf32> to vector<16x1xf32>
    %le3A_162 = vector.broadcast %get3A_138 : vector<1x8064xf32> to vector<16x8064xf32>
    %le3A_163 = vector.broadcast %broadcast_in_dim3A_161 : vector<16x1xf32> to vector<16x8064xf32>
    %le3A_164 = arith.cmpf ole, %le3A_162, %le3A_163 : vector<16x8064xf32>
    %jit3A_165 = arith.constant 1.000000e+00 : f32
    %jit3A_166 = arith.constant 0.000000e+00 : f32
    %broadcast_in_dim3A_167 = vector.broadcast %jit3A_165 : f32 to vector<16x8064xf32>
    %broadcast_in_dim3A_168 = vector.broadcast %jit3A_166 : f32 to vector<16x8064xf32>
    %select_n3A_169 = arith.select %le3A_164, %broadcast_in_dim3A_167, %broadcast_in_dim3A_168 : vector<16x8064xi1>, vector<16x8064xf32>
    %reduce_sum3A_170 = arith.constant dense<0.000000e+00> : vector<16xf32>
    %reduce_sum3A_171 = vector.multi_reduction <add>, %select_n3A_169, %reduce_sum3A_170 [1] : vector<16x8064xf32> to vector<16xf32>
    %broadcast_in_dim3A_172 = vector.shape_cast %reduce_sum3A_171 : vector<16xf32> to vector<16x1xf32>
    %lt3A_173 = vector.broadcast %get3A_141 : vector<1x128xf32> to vector<16x128xf32>
    %lt3A_174 = vector.broadcast %broadcast_in_dim3A_161 : vector<16x1xf32> to vector<16x128xf32>
    %lt3A_175 = arith.cmpf olt, %lt3A_173, %lt3A_174 : vector<16x128xf32>
    %eq3A_176 = vector.broadcast %get3A_141 : vector<1x128xf32> to vector<16x128xf32>
    %eq3A_177 = vector.broadcast %broadcast_in_dim3A_161 : vector<16x1xf32> to vector<16x128xf32>
    %eq3A_178 = arith.cmpf oeq, %eq3A_176, %eq3A_177 : vector<16x128xf32>
    %lt3A_179 = arith.cmpi slt, %iota3A_0, %add3A_2 : vector<16x128xi32>
    %and3A_180 = arith.andi %eq3A_178, %lt3A_179 : vector<16x128xi1>
    %or3A_181 = arith.ori %lt3A_175, %and3A_180 : vector<16x128xi1>
    %jit3A_182 = arith.constant 1.000000e+00 : f32
    %jit3A_183 = arith.constant 0.000000e+00 : f32
    %broadcast_in_dim3A_184 = vector.broadcast %jit3A_182 : f32 to vector<16x128xf32>
    %broadcast_in_dim3A_185 = vector.broadcast %jit3A_183 : f32 to vector<16x128xf32>
    %select_n3A_186 = arith.select %or3A_181, %broadcast_in_dim3A_184, %broadcast_in_dim3A_185 : vector<16x128xi1>, vector<16x128xf32>
    %reduce_sum3A_187 = arith.constant dense<0.000000e+00> : vector<16xf32>
    %reduce_sum3A_188 = vector.multi_reduction <add>, %select_n3A_186, %reduce_sum3A_187 [1] : vector<16x128xf32> to vector<16xf32>
    %broadcast_in_dim3A_189 = vector.shape_cast %reduce_sum3A_188 : vector<16xf32> to vector<16x1xf32>
    %add3A_190 = arith.addf %broadcast_in_dim3A_172, %broadcast_in_dim3A_189 : vector<16x1xf32>
    %mul3A_191 = arith.constant 8 : i32
    %mul3A_192 = arith.muli %arg0, %mul3A_191 : i32
    %add3A_193 = arith.constant 2 : i32
    %add3A_194 = arith.addi %mul3A_192, %add3A_193 : i32
    %mul3A_195 = arith.constant 8192 : i32
    %mul3A_196 = arith.muli %add3A_194, %mul3A_195 : i32
    %convert_element_type3A_197 = arith.fptosi %add3A_190 : vector<16x1xf32> to vector<16x1xi32>
    %add3A_198 = vector.broadcast %mul3A_196 : i32 to vector<16x1xi32>
    %add3A_199 = arith.addi %convert_element_type3A_197, %add3A_198 : vector<16x1xi32>
    %swap3A_200 = arith.constant 32 : index
    %swap3A_201 = arith.constant 0 : index
    %swap3A_202 = vector.load %arg4[%swap3A_200, %swap3A_201] : memref<128x1xi32, #tpu.memory_space<vmem>>, vector<16x1xi32>
    tpu.vector_store %arg4[%swap3A_200, %swap3A_201], %add3A_199 {strides = array<i32>} : memref<128x1xi32, #tpu.memory_space<vmem>>, vector<16x1xi32>,
    %get3A_203 = arith.constant 3 : index
    %get3A_204 = arith.constant 0 : index
    %get3A_205 = vector.load %arg1[%get3A_203, %get3A_204] : memref<8x8192xf32, #tpu.memory_space<vmem>>, vector<1x8192xf32>
    %get3A_206 = arith.constant 3 : index
    %get3A_207 = arith.constant 0 : index
    %get3A_208 = vector.load %arg2[%get3A_206, %get3A_207] : memref<8x8192xf32, #tpu.memory_space<vmem>>, vector<1x8064xf32>
    %get3A_209 = arith.constant 3 : index
    %get3A_210 = arith.constant 8064 : index
    %get3A_211 = vector.load %arg2[%get3A_209, %get3A_210] : memref<8x8192xf32, #tpu.memory_space<vmem>>, vector<1x128xf32>
    %reduce_max3A_212 = arith.constant dense<0xFF800000> : vector<1xf32>
    %reduce_max3A_213 = vector.multi_reduction <maximumf>, %get3A_205, %reduce_max3A_212 [1] : vector<1x8192xf32> to vector<1xf32>
    %broadcast_in_dim3A_214 = vector.shape_cast %reduce_max3A_213 : vector<1xf32> to vector<1x1xf32>
    %add3A_215 = arith.addf %add3A_153, %broadcast_in_dim3A_214 : vector<1x1xf32>
    %sub3A_216 = vector.broadcast %broadcast_in_dim3A_214 : vector<1x1xf32> to vector<1x8192xf32>
    %sub3A_217 = arith.subf %get3A_205, %sub3A_216 : vector<1x8192xf32>
    %exp3A_218 = math.exp %sub3A_217 : vector<1x8192xf32>
    %reduce_sum3A_219 = arith.constant dense<0.000000e+00> : vector<1xf32>
    %reduce_sum3A_220 = vector.multi_reduction <add>, %exp3A_218, %reduce_sum3A_219 [1] : vector<1x8192xf32> to vector<1xf32>
    %broadcast_in_dim3A_221 = vector.shape_cast %reduce_sum3A_220 : vector<1xf32> to vector<1x1xf32>
    %log3A_222 = math.log %broadcast_in_dim3A_221 : vector<1x1xf32>
    %add3A_223 = arith.addf %add3A_215, %log3A_222 : vector<1x1xf32>
    %jit3A_224 = arith.constant 0.000000e+00 : f32
    %broadcast_in_dim3A_225 = vector.shape_cast %get3A_211 : vector<1x128xf32> to vector<1x128xf32>
    %broadcast_in_dim3A_226 = vector.broadcast %broadcast_in_dim3A_225 : vector<1x128xf32> to vector<16x128xf32>
    %broadcast_in_dim3A_227 = vector.broadcast %jit3A_224 : f32 to vector<16x128xf32>
    %select_n3A_228 = arith.select %eq3A, %broadcast_in_dim3A_226, %broadcast_in_dim3A_227 : vector<16x128xi1>, vector<16x128xf32>
    %reduce_sum3A_229 = arith.constant dense<0.000000e+00> : vector<16xf32>
    %reduce_sum3A_230 = vector.multi_reduction <add>, %select_n3A_228, %reduce_sum3A_229 [1] : vector<16x128xf32> to vector<16xf32>
    %broadcast_in_dim3A_231 = vector.shape_cast %reduce_sum3A_230 : vector<16xf32> to vector<16x1xf32>
    %le3A_232 = vector.broadcast %get3A_208 : vector<1x8064xf32> to vector<16x8064xf32>
    %le3A_233 = vector.broadcast %broadcast_in_dim3A_231 : vector<16x1xf32> to vector<16x8064xf32>
    %le3A_234 = arith.cmpf ole, %le3A_232, %le3A_233 : vector<16x8064xf32>
    %jit3A_235 = arith.constant 1.000000e+00 : f32
    %jit3A_236 = arith.constant 0.000000e+00 : f32
    %broadcast_in_dim3A_237 = vector.broadcast %jit3A_235 : f32 to vector<16x8064xf32>
    %broadcast_in_dim3A_238 = vector.broadcast %jit3A_236 : f32 to vector<16x8064xf32>
    %select_n3A_239 = arith.select %le3A_234, %broadcast_in_dim3A_237, %broadcast_in_dim3A_238 : vector<16x8064xi1>, vector<16x8064xf32>
    %reduce_sum3A_240 = arith.constant dense<0.000000e+00> : vector<16xf32>
    %reduce_sum3A_241 = vector.multi_reduction <add>, %select_n3A_239, %reduce_sum3A_240 [1] : vector<16x8064xf32> to vector<16xf32>
    %broadcast_in_dim3A_242 = vector.shape_cast %reduce_sum3A_241 : vector<16xf32> to vector<16x1xf32>
    %lt3A_243 = vector.broadcast %get3A_211 : vector<1x128xf32> to vector<16x128xf32>
    %lt3A_244 = vector.broadcast %broadcast_in_dim3A_231 : vector<16x1xf32> to vector<16x128xf32>
    %lt3A_245 = arith.cmpf olt, %lt3A_243, %lt3A_244 : vector<16x128xf32>
    %eq3A_246 = vector.broadcast %get3A_211 : vector<1x128xf32> to vector<16x128xf32>
    %eq3A_247 = vector.broadcast %broadcast_in_dim3A_231 : vector<16x1xf32> to vector<16x128xf32>
    %eq3A_248 = arith.cmpf oeq, %eq3A_246, %eq3A_247 : vector<16x128xf32>
    %lt3A_249 = arith.cmpi slt, %iota3A_0, %add3A_2 : vector<16x128xi32>
    %and3A_250 = arith.andi %eq3A_248, %lt3A_249 : vector<16x128xi1>
    %or3A_251 = arith.ori %lt3A_245, %and3A_250 : vector<16x128xi1>
    %jit3A_252 = arith.constant 1.000000e+00 : f32
    %jit3A_253 = arith.constant 0.000000e+00 : f32
    %broadcast_in_dim3A_254 = vector.broadcast %jit3A_252 : f32 to vector<16x128xf32>
    %broadcast_in_dim3A_255 = vector.broadcast %jit3A_253 : f32 to vector<16x128xf32>
    %select_n3A_256 = arith.select %or3A_251, %broadcast_in_dim3A_254, %broadcast_in_dim3A_255 : vector<16x128xi1>, vector<16x128xf32>
    %reduce_sum3A_257 = arith.constant dense<0.000000e+00> : vector<16xf32>
    %reduce_sum3A_258 = vector.multi_reduction <add>, %select_n3A_256, %reduce_sum3A_257 [1] : vector<16x128xf32> to vector<16xf32>
    %broadcast_in_dim3A_259 = vector.shape_cast %reduce_sum3A_258 : vector<16xf32> to vector<16x1xf32>
    %add3A_260 = arith.addf %broadcast_in_dim3A_242, %broadcast_in_dim3A_259 : vector<16x1xf32>
    %mul3A_261 = arith.constant 8 : i32
    %mul3A_262 = arith.muli %arg0, %mul3A_261 : i32
    %add3A_263 = arith.constant 3 : i32
    %add3A_264 = arith.addi %mul3A_262, %add3A_263 : i32
    %mul3A_265 = arith.constant 8192 : i32
    %mul3A_266 = arith.muli %add3A_264, %mul3A_265 : i32
    %convert_element_type3A_267 = arith.fptosi %add3A_260 : vector<16x1xf32> to vector<16x1xi32>
    %add3A_268 = vector.broadcast %mul3A_266 : i32 to vector<16x1xi32>
    %add3A_269 = arith.addi %convert_element_type3A_267, %add3A_268 : vector<16x1xi32>
    %swap3A_270 = arith.constant 48 : index
    %swap3A_271 = arith.constant 0 : index
    %swap3A_272 = vector.load %arg4[%swap3A_270, %swap3A_271] : memref<128x1xi32, #tpu.memory_space<vmem>>, vector<16x1xi32>
    tpu.vector_store %arg4[%swap3A_270, %swap3A_271], %add3A_269 {strides = array<i32>} : memref<128x1xi32, #tpu.memory_space<vmem>>, vector<16x1xi32>,
    %get3A_273 = arith.constant 4 : index
    %get3A_274 = arith.constant 0 : index
    %get3A_275 = vector.load %arg1[%get3A_273, %get3A_274] : memref<8x8192xf32, #tpu.memory_space<vmem>>, vector<1x8192xf32>
    %get3A_276 = arith.constant 4 : index
    %get3A_277 = arith.constant 0 : index
    %get3A_278 = vector.load %arg2[%get3A_276, %get3A_277] : memref<8x8192xf32, #tpu.memory_space<vmem>>, vector<1x8064xf32>
    %get3A_279 = arith.constant 4 : index
    %get3A_280 = arith.constant 8064 : index
    %get3A_281 = vector.load %arg2[%get3A_279, %get3A_280] : memref<8x8192xf32, #tpu.memory_space<vmem>>, vector<1x128xf32>
    %reduce_max3A_282 = arith.constant dense<0xFF800000> : vector<1xf32>
    %reduce_max3A_283 = vector.multi_reduction <maximumf>, %get3A_275, %reduce_max3A_282 [1] : vector<1x8192xf32> to vector<1xf32>
    %broadcast_in_dim3A_284 = vector.shape_cast %reduce_max3A_283 : vector<1xf32> to vector<1x1xf32>
    %add3A_285 = arith.addf %add3A_223, %broadcast_in_dim3A_284 : vector<1x1xf32>
    %sub3A_286 = vector.broadcast %broadcast_in_dim3A_284 : vector<1x1xf32> to vector<1x8192xf32>
    %sub3A_287 = arith.subf %get3A_275, %sub3A_286 : vector<1x8192xf32>
    %exp3A_288 = math.exp %sub3A_287 : vector<1x8192xf32>
    %reduce_sum3A_289 = arith.constant dense<0.000000e+00> : vector<1xf32>
    %reduce_sum3A_290 = vector.multi_reduction <add>, %exp3A_288, %reduce_sum3A_289 [1] : vector<1x8192xf32> to vector<1xf32>
    %broadcast_in_dim3A_291 = vector.shape_cast %reduce_sum3A_290 : vector<1xf32> to vector<1x1xf32>
    %log3A_292 = math.log %broadcast_in_dim3A_291 : vector<1x1xf32>
    %add3A_293 = arith.addf %add3A_285, %log3A_292 : vector<1x1xf32>
    %jit3A_294 = arith.constant 0.000000e+00 : f32
    %broadcast_in_dim3A_295 = vector.shape_cast %get3A_281 : vector<1x128xf32> to vector<1x128xf32>
    %broadcast_in_dim3A_296 = vector.broadcast %broadcast_in_dim3A_295 : vector<1x128xf32> to vector<16x128xf32>
    %broadcast_in_dim3A_297 = vector.broadcast %jit3A_294 : f32 to vector<16x128xf32>
    %select_n3A_298 = arith.select %eq3A, %broadcast_in_dim3A_296, %broadcast_in_dim3A_297 : vector<16x128xi1>, vector<16x128xf32>
    %reduce_sum3A_299 = arith.constant dense<0.000000e+00> : vector<16xf32>
    %reduce_sum3A_300 = vector.multi_reduction <add>, %select_n3A_298, %reduce_sum3A_299 [1] : vector<16x128xf32> to vector<16xf32>
    %broadcast_in_dim3A_301 = vector.shape_cast %reduce_sum3A_300 : vector<16xf32> to vector<16x1xf32>
    %le3A_302 = vector.broadcast %get3A_278 : vector<1x8064xf32> to vector<16x8064xf32>
    %le3A_303 = vector.broadcast %broadcast_in_dim3A_301 : vector<16x1xf32> to vector<16x8064xf32>
    %le3A_304 = arith.cmpf ole, %le3A_302, %le3A_303 : vector<16x8064xf32>
    %jit3A_305 = arith.constant 1.000000e+00 : f32
    %jit3A_306 = arith.constant 0.000000e+00 : f32
    %broadcast_in_dim3A_307 = vector.broadcast %jit3A_305 : f32 to vector<16x8064xf32>
    %broadcast_in_dim3A_308 = vector.broadcast %jit3A_306 : f32 to vector<16x8064xf32>
    %select_n3A_309 = arith.select %le3A_304, %broadcast_in_dim3A_307, %broadcast_in_dim3A_308 : vector<16x8064xi1>, vector<16x8064xf32>
    %reduce_sum3A_310 = arith.constant dense<0.000000e+00> : vector<16xf32>
    %reduce_sum3A_311 = vector.multi_reduction <add>, %select_n3A_309, %reduce_sum3A_310 [1] : vector<16x8064xf32> to vector<16xf32>
    %broadcast_in_dim3A_312 = vector.shape_cast %reduce_sum3A_311 : vector<16xf32> to vector<16x1xf32>
    %lt3A_313 = vector.broadcast %get3A_281 : vector<1x128xf32> to vector<16x128xf32>
    %lt3A_314 = vector.broadcast %broadcast_in_dim3A_301 : vector<16x1xf32> to vector<16x128xf32>
    %lt3A_315 = arith.cmpf olt, %lt3A_313, %lt3A_314 : vector<16x128xf32>
    %eq3A_316 = vector.broadcast %get3A_281 : vector<1x128xf32> to vector<16x128xf32>
    %eq3A_317 = vector.broadcast %broadcast_in_dim3A_301 : vector<16x1xf32> to vector<16x128xf32>
    %eq3A_318 = arith.cmpf oeq, %eq3A_316, %eq3A_317 : vector<16x128xf32>
    %lt3A_319 = arith.cmpi slt, %iota3A_0, %add3A_2 : vector<16x128xi32>
    %and3A_320 = arith.andi %eq3A_318, %lt3A_319 : vector<16x128xi1>
    %or3A_321 = arith.ori %lt3A_315, %and3A_320 : vector<16x128xi1>
    %jit3A_322 = arith.constant 1.000000e+00 : f32
    %jit3A_323 = arith.constant 0.000000e+00 : f32
    %broadcast_in_dim3A_324 = vector.broadcast %jit3A_322 : f32 to vector<16x128xf32>
    %broadcast_in_dim3A_325 = vector.broadcast %jit3A_323 : f32 to vector<16x128xf32>
    %select_n3A_326 = arith.select %or3A_321, %broadcast_in_dim3A_324, %broadcast_in_dim3A_325 : vector<16x128xi1>, vector<16x128xf32>
    %reduce_sum3A_327 = arith.constant dense<0.000000e+00> : vector<16xf32>
    %reduce_sum3A_328 = vector.multi_reduction <add>, %select_n3A_326, %reduce_sum3A_327 [1] : vector<16x128xf32> to vector<16xf32>
    %broadcast_in_dim3A_329 = vector.shape_cast %reduce_sum3A_328 : vector<16xf32> to vector<16x1xf32>
    %add3A_330 = arith.addf %broadcast_in_dim3A_312, %broadcast_in_dim3A_329 : vector<16x1xf32>
    %mul3A_331 = arith.constant 8 : i32
    %mul3A_332 = arith.muli %arg0, %mul3A_331 : i32
    %add3A_333 = arith.constant 4 : i32
    %add3A_334 = arith.addi %mul3A_332, %add3A_333 : i32
    %mul3A_335 = arith.constant 8192 : i32
    %mul3A_336 = arith.muli %add3A_334, %mul3A_335 : i32
    %convert_element_type3A_337 = arith.fptosi %add3A_330 : vector<16x1xf32> to vector<16x1xi32>
    %add3A_338 = vector.broadcast %mul3A_336 : i32 to vector<16x1xi32>
    %add3A_339 = arith.addi %convert_element_type3A_337, %add3A_338 : vector<16x1xi32>
    %swap3A_340 = arith.constant 64 : index
    %swap3A_341 = arith.constant 0 : index
    %swap3A_342 = vector.load %arg4[%swap3A_340, %swap3A_341] : memref<128x1xi32, #tpu.memory_space<vmem>>, vector<16x1xi32>
    tpu.vector_store %arg4[%swap3A_340, %swap3A_341], %add3A_339 {strides = array<i32>} : memref<128x1xi32, #tpu.memory_space<vmem>>, vector<16x1xi32>,
    %get3A_343 = arith.constant 5 : index
    %get3A_344 = arith.constant 0 : index
    %get3A_345 = vector.load %arg1[%get3A_343, %get3A_344] : memref<8x8192xf32, #tpu.memory_space<vmem>>, vector<1x8192xf32>
    %get3A_346 = arith.constant 5 : index
    %get3A_347 = arith.constant 0 : index
    %get3A_348 = vector.load %arg2[%get3A_346, %get3A_347] : memref<8x8192xf32, #tpu.memory_space<vmem>>, vector<1x8064xf32>
    %get3A_349 = arith.constant 5 : index
    %get3A_350 = arith.constant 8064 : index
    %get3A_351 = vector.load %arg2[%get3A_349, %get3A_350] : memref<8x8192xf32, #tpu.memory_space<vmem>>, vector<1x128xf32>
    %reduce_max3A_352 = arith.constant dense<0xFF800000> : vector<1xf32>
    %reduce_max3A_353 = vector.multi_reduction <maximumf>, %get3A_345, %reduce_max3A_352 [1] : vector<1x8192xf32> to vector<1xf32>
    %broadcast_in_dim3A_354 = vector.shape_cast %reduce_max3A_353 : vector<1xf32> to vector<1x1xf32>
    %add3A_355 = arith.addf %add3A_293, %broadcast_in_dim3A_354 : vector<1x1xf32>
    %sub3A_356 = vector.broadcast %broadcast_in_dim3A_354 : vector<1x1xf32> to vector<1x8192xf32>
    %sub3A_357 = arith.subf %get3A_345, %sub3A_356 : vector<1x8192xf32>
    %exp3A_358 = math.exp %sub3A_357 : vector<1x8192xf32>
    %reduce_sum3A_359 = arith.constant dense<0.000000e+00> : vector<1xf32>
    %reduce_sum3A_360 = vector.multi_reduction <add>, %exp3A_358, %reduce_sum3A_359 [1] : vector<1x8192xf32> to vector<1xf32>
    %broadcast_in_dim3A_361 = vector.shape_cast %reduce_sum3A_360 : vector<1xf32> to vector<1x1xf32>
    %log3A_362 = math.log %broadcast_in_dim3A_361 : vector<1x1xf32>
    %add3A_363 = arith.addf %add3A_355, %log3A_362 : vector<1x1xf32>
    %jit3A_364 = arith.constant 0.000000e+00 : f32
    %broadcast_in_dim3A_365 = vector.shape_cast %get3A_351 : vector<1x128xf32> to vector<1x128xf32>
    %broadcast_in_dim3A_366 = vector.broadcast %broadcast_in_dim3A_365 : vector<1x128xf32> to vector<16x128xf32>
    %broadcast_in_dim3A_367 = vector.broadcast %jit3A_364 : f32 to vector<16x128xf32>
    %select_n3A_368 = arith.select %eq3A, %broadcast_in_dim3A_366, %broadcast_in_dim3A_367 : vector<16x128xi1>, vector<16x128xf32>
    %reduce_sum3A_369 = arith.constant dense<0.000000e+00> : vector<16xf32>
    %reduce_sum3A_370 = vector.multi_reduction <add>, %select_n3A_368, %reduce_sum3A_369 [1] : vector<16x128xf32> to vector<16xf32>
    %broadcast_in_dim3A_371 = vector.shape_cast %reduce_sum3A_370 : vector<16xf32> to vector<16x1xf32>
    %le3A_372 = vector.broadcast %get3A_348 : vector<1x8064xf32> to vector<16x8064xf32>
    %le3A_373 = vector.broadcast %broadcast_in_dim3A_371 : vector<16x1xf32> to vector<16x8064xf32>
    %le3A_374 = arith.cmpf ole, %le3A_372, %le3A_373 : vector<16x8064xf32>
    %jit3A_375 = arith.constant 1.000000e+00 : f32
    %jit3A_376 = arith.constant 0.000000e+00 : f32
    %broadcast_in_dim3A_377 = vector.broadcast %jit3A_375 : f32 to vector<16x8064xf32>
    %broadcast_in_dim3A_378 = vector.broadcast %jit3A_376 : f32 to vector<16x8064xf32>
    %select_n3A_379 = arith.select %le3A_374, %broadcast_in_dim3A_377, %broadcast_in_dim3A_378 : vector<16x8064xi1>, vector<16x8064xf32>
    %reduce_sum3A_380 = arith.constant dense<0.000000e+00> : vector<16xf32>
    %reduce_sum3A_381 = vector.multi_reduction <add>, %select_n3A_379, %reduce_sum3A_380 [1] : vector<16x8064xf32> to vector<16xf32>
    %broadcast_in_dim3A_382 = vector.shape_cast %reduce_sum3A_381 : vector<16xf32> to vector<16x1xf32>
    %lt3A_383 = vector.broadcast %get3A_351 : vector<1x128xf32> to vector<16x128xf32>
    %lt3A_384 = vector.broadcast %broadcast_in_dim3A_371 : vector<16x1xf32> to vector<16x128xf32>
    %lt3A_385 = arith.cmpf olt, %lt3A_383, %lt3A_384 : vector<16x128xf32>
    %eq3A_386 = vector.broadcast %get3A_351 : vector<1x128xf32> to vector<16x128xf32>
    %eq3A_387 = vector.broadcast %broadcast_in_dim3A_371 : vector<16x1xf32> to vector<16x128xf32>
    %eq3A_388 = arith.cmpf oeq, %eq3A_386, %eq3A_387 : vector<16x128xf32>
    %lt3A_389 = arith.cmpi slt, %iota3A_0, %add3A_2 : vector<16x128xi32>
    %and3A_390 = arith.andi %eq3A_388, %lt3A_389 : vector<16x128xi1>
    %or3A_391 = arith.ori %lt3A_385, %and3A_390 : vector<16x128xi1>
    %jit3A_392 = arith.constant 1.000000e+00 : f32
    %jit3A_393 = arith.constant 0.000000e+00 : f32
    %broadcast_in_dim3A_394 = vector.broadcast %jit3A_392 : f32 to vector<16x128xf32>
    %broadcast_in_dim3A_395 = vector.broadcast %jit3A_393 : f32 to vector<16x128xf32>
    %select_n3A_396 = arith.select %or3A_391, %broadcast_in_dim3A_394, %broadcast_in_dim3A_395 : vector<16x128xi1>, vector<16x128xf32>
    %reduce_sum3A_397 = arith.constant dense<0.000000e+00> : vector<16xf32>
    %reduce_sum3A_398 = vector.multi_reduction <add>, %select_n3A_396, %reduce_sum3A_397 [1] : vector<16x128xf32> to vector<16xf32>
    %broadcast_in_dim3A_399 = vector.shape_cast %reduce_sum3A_398 : vector<16xf32> to vector<16x1xf32>
    %add3A_400 = arith.addf %broadcast_in_dim3A_382, %broadcast_in_dim3A_399 : vector<16x1xf32>
    %mul3A_401 = arith.constant 8 : i32
    %mul3A_402 = arith.muli %arg0, %mul3A_401 : i32
    %add3A_403 = arith.constant 5 : i32
    %add3A_404 = arith.addi %mul3A_402, %add3A_403 : i32
    %mul3A_405 = arith.constant 8192 : i32
    %mul3A_406 = arith.muli %add3A_404, %mul3A_405 : i32
    %convert_element_type3A_407 = arith.fptosi %add3A_400 : vector<16x1xf32> to vector<16x1xi32>
    %add3A_408 = vector.broadcast %mul3A_406 : i32 to vector<16x1xi32>
    %add3A_409 = arith.addi %convert_element_type3A_407, %add3A_408 : vector<16x1xi32>
    %swap3A_410 = arith.constant 80 : index
    %swap3A_411 = arith.constant 0 : index
    %swap3A_412 = vector.load %arg4[%swap3A_410, %swap3A_411] : memref<128x1xi32, #tpu.memory_space<vmem>>, vector<16x1xi32>
    tpu.vector_store %arg4[%swap3A_410, %swap3A_411], %add3A_409 {strides = array<i32>} : memref<128x1xi32, #tpu.memory_space<vmem>>, vector<16x1xi32>,
    %get3A_413 = arith.constant 6 : index
    %get3A_414 = arith.constant 0 : index
    %get3A_415 = vector.load %arg1[%get3A_413, %get3A_414] : memref<8x8192xf32, #tpu.memory_space<vmem>>, vector<1x8192xf32>
    %get3A_416 = arith.constant 6 : index
    %get3A_417 = arith.constant 0 : index
    %get3A_418 = vector.load %arg2[%get3A_416, %get3A_417] : memref<8x8192xf32, #tpu.memory_space<vmem>>, vector<1x8064xf32>
    %get3A_419 = arith.constant 6 : index
    %get3A_420 = arith.constant 8064 : index
    %get3A_421 = vector.load %arg2[%get3A_419, %get3A_420] : memref<8x8192xf32, #tpu.memory_space<vmem>>, vector<1x128xf32>
    %reduce_max3A_422 = arith.constant dense<0xFF800000> : vector<1xf32>
    %reduce_max3A_423 = vector.multi_reduction <maximumf>, %get3A_415, %reduce_max3A_422 [1] : vector<1x8192xf32> to vector<1xf32>
    %broadcast_in_dim3A_424 = vector.shape_cast %reduce_max3A_423 : vector<1xf32> to vector<1x1xf32>
    %add3A_425 = arith.addf %add3A_363, %broadcast_in_dim3A_424 : vector<1x1xf32>
    %sub3A_426 = vector.broadcast %broadcast_in_dim3A_424 : vector<1x1xf32> to vector<1x8192xf32>
    %sub3A_427 = arith.subf %get3A_415, %sub3A_426 : vector<1x8192xf32>
    %exp3A_428 = math.exp %sub3A_427 : vector<1x8192xf32>
    %reduce_sum3A_429 = arith.constant dense<0.000000e+00> : vector<1xf32>
    %reduce_sum3A_430 = vector.multi_reduction <add>, %exp3A_428, %reduce_sum3A_429 [1] : vector<1x8192xf32> to vector<1xf32>
    %broadcast_in_dim3A_431 = vector.shape_cast %reduce_sum3A_430 : vector<1xf32> to vector<1x1xf32>
    %log3A_432 = math.log %broadcast_in_dim3A_431 : vector<1x1xf32>
    %add3A_433 = arith.addf %add3A_425, %log3A_432 : vector<1x1xf32>
    %jit3A_434 = arith.constant 0.000000e+00 : f32
    %broadcast_in_dim3A_435 = vector.shape_cast %get3A_421 : vector<1x128xf32> to vector<1x128xf32>
    %broadcast_in_dim3A_436 = vector.broadcast %broadcast_in_dim3A_435 : vector<1x128xf32> to vector<16x128xf32>
    %broadcast_in_dim3A_437 = vector.broadcast %jit3A_434 : f32 to vector<16x128xf32>
    %select_n3A_438 = arith.select %eq3A, %broadcast_in_dim3A_436, %broadcast_in_dim3A_437 : vector<16x128xi1>, vector<16x128xf32>
    %reduce_sum3A_439 = arith.constant dense<0.000000e+00> : vector<16xf32>
    %reduce_sum3A_440 = vector.multi_reduction <add>, %select_n3A_438, %reduce_sum3A_439 [1] : vector<16x128xf32> to vector<16xf32>
    %broadcast_in_dim3A_441 = vector.shape_cast %reduce_sum3A_440 : vector<16xf32> to vector<16x1xf32>
    %le3A_442 = vector.broadcast %get3A_418 : vector<1x8064xf32> to vector<16x8064xf32>
    %le3A_443 = vector.broadcast %broadcast_in_dim3A_441 : vector<16x1xf32> to vector<16x8064xf32>
    %le3A_444 = arith.cmpf ole, %le3A_442, %le3A_443 : vector<16x8064xf32>
    %jit3A_445 = arith.constant 1.000000e+00 : f32
    %jit3A_446 = arith.constant 0.000000e+00 : f32
    %broadcast_in_dim3A_447 = vector.broadcast %jit3A_445 : f32 to vector<16x8064xf32>
    %broadcast_in_dim3A_448 = vector.broadcast %jit3A_446 : f32 to vector<16x8064xf32>
    %select_n3A_449 = arith.select %le3A_444, %broadcast_in_dim3A_447, %broadcast_in_dim3A_448 : vector<16x8064xi1>, vector<16x8064xf32>
    %reduce_sum3A_450 = arith.constant dense<0.000000e+00> : vector<16xf32>
    %reduce_sum3A_451 = vector.multi_reduction <add>, %select_n3A_449, %reduce_sum3A_450 [1] : vector<16x8064xf32> to vector<16xf32>
    %broadcast_in_dim3A_452 = vector.shape_cast %reduce_sum3A_451 : vector<16xf32> to vector<16x1xf32>
    %lt3A_453 = vector.broadcast %get3A_421 : vector<1x128xf32> to vector<16x128xf32>
    %lt3A_454 = vector.broadcast %broadcast_in_dim3A_441 : vector<16x1xf32> to vector<16x128xf32>
    %lt3A_455 = arith.cmpf olt, %lt3A_453, %lt3A_454 : vector<16x128xf32>
    %eq3A_456 = vector.broadcast %get3A_421 : vector<1x128xf32> to vector<16x128xf32>
    %eq3A_457 = vector.broadcast %broadcast_in_dim3A_441 : vector<16x1xf32> to vector<16x128xf32>
    %eq3A_458 = arith.cmpf oeq, %eq3A_456, %eq3A_457 : vector<16x128xf32>
    %lt3A_459 = arith.cmpi slt, %iota3A_0, %add3A_2 : vector<16x128xi32>
    %and3A_460 = arith.andi %eq3A_458, %lt3A_459 : vector<16x128xi1>
    %or3A_461 = arith.ori %lt3A_455, %and3A_460 : vector<16x128xi1>
    %jit3A_462 = arith.constant 1.000000e+00 : f32
    %jit3A_463 = arith.constant 0.000000e+00 : f32
    %broadcast_in_dim3A_464 = vector.broadcast %jit3A_462 : f32 to vector<16x128xf32>
    %broadcast_in_dim3A_465 = vector.broadcast %jit3A_463 : f32 to vector<16x128xf32>
    %select_n3A_466 = arith.select %or3A_461, %broadcast_in_dim3A_464, %broadcast_in_dim3A_465 : vector<16x128xi1>, vector<16x128xf32>
    %reduce_sum3A_467 = arith.constant dense<0.000000e+00> : vector<16xf32>
    %reduce_sum3A_468 = vector.multi_reduction <add>, %select_n3A_466, %reduce_sum3A_467 [1] : vector<16x128xf32> to vector<16xf32>
    %broadcast_in_dim3A_469 = vector.shape_cast %reduce_sum3A_468 : vector<16xf32> to vector<16x1xf32>
    %add3A_470 = arith.addf %broadcast_in_dim3A_452, %broadcast_in_dim3A_469 : vector<16x1xf32>
    %mul3A_471 = arith.constant 8 : i32
    %mul3A_472 = arith.muli %arg0, %mul3A_471 : i32
    %add3A_473 = arith.constant 6 : i32
    %add3A_474 = arith.addi %mul3A_472, %add3A_473 : i32
    %mul3A_475 = arith.constant 8192 : i32
    %mul3A_476 = arith.muli %add3A_474, %mul3A_475 : i32
    %convert_element_type3A_477 = arith.fptosi %add3A_470 : vector<16x1xf32> to vector<16x1xi32>
    %add3A_478 = vector.broadcast %mul3A_476 : i32 to vector<16x1xi32>
    %add3A_479 = arith.addi %convert_element_type3A_477, %add3A_478 : vector<16x1xi32>
    %swap3A_480 = arith.constant 96 : index
    %swap3A_481 = arith.constant 0 : index
    %swap3A_482 = vector.load %arg4[%swap3A_480, %swap3A_481] : memref<128x1xi32, #tpu.memory_space<vmem>>, vector<16x1xi32>
    tpu.vector_store %arg4[%swap3A_480, %swap3A_481], %add3A_479 {strides = array<i32>} : memref<128x1xi32, #tpu.memory_space<vmem>>, vector<16x1xi32>,
    %get3A_483 = arith.constant 7 : index
    %get3A_484 = arith.constant 0 : index
    %get3A_485 = vector.load %arg1[%get3A_483, %get3A_484] : memref<8x8192xf32, #tpu.memory_space<vmem>>, vector<1x8192xf32>
    %get3A_486 = arith.constant 7 : index
    %get3A_487 = arith.constant 0 : index
    %get3A_488 = vector.load %arg2[%get3A_486, %get3A_487] : memref<8x8192xf32, #tpu.memory_space<vmem>>, vector<1x8064xf32>
    %get3A_489 = arith.constant 7 : index
    %get3A_490 = arith.constant 8064 : index
    %get3A_491 = vector.load %arg2[%get3A_489, %get3A_490] : memref<8x8192xf32, #tpu.memory_space<vmem>>, vector<1x128xf32>
    %reduce_max3A_492 = arith.constant dense<0xFF800000> : vector<1xf32>
    %reduce_max3A_493 = vector.multi_reduction <maximumf>, %get3A_485, %reduce_max3A_492 [1] : vector<1x8192xf32> to vector<1xf32>
    %broadcast_in_dim3A_494 = vector.shape_cast %reduce_max3A_493 : vector<1xf32> to vector<1x1xf32>
    %add3A_495 = arith.addf %add3A_433, %broadcast_in_dim3A_494 : vector<1x1xf32>
    %sub3A_496 = vector.broadcast %broadcast_in_dim3A_494 : vector<1x1xf32> to vector<1x8192xf32>
    %sub3A_497 = arith.subf %get3A_485, %sub3A_496 : vector<1x8192xf32>
    %exp3A_498 = math.exp %sub3A_497 : vector<1x8192xf32>
    %reduce_sum3A_499 = arith.constant dense<0.000000e+00> : vector<1xf32>
    %reduce_sum3A_500 = vector.multi_reduction <add>, %exp3A_498, %reduce_sum3A_499 [1] : vector<1x8192xf32> to vector<1xf32>
    %broadcast_in_dim3A_501 = vector.shape_cast %reduce_sum3A_500 : vector<1xf32> to vector<1x1xf32>
    %log3A_502 = math.log %broadcast_in_dim3A_501 : vector<1x1xf32>
    %add3A_503 = arith.addf %add3A_495, %log3A_502 : vector<1x1xf32>
    %jit3A_504 = arith.constant 0.000000e+00 : f32
    %broadcast_in_dim3A_505 = vector.shape_cast %get3A_491 : vector<1x128xf32> to vector<1x128xf32>
    %broadcast_in_dim3A_506 = vector.broadcast %broadcast_in_dim3A_505 : vector<1x128xf32> to vector<16x128xf32>
    %broadcast_in_dim3A_507 = vector.broadcast %jit3A_504 : f32 to vector<16x128xf32>
    %select_n3A_508 = arith.select %eq3A, %broadcast_in_dim3A_506, %broadcast_in_dim3A_507 : vector<16x128xi1>, vector<16x128xf32>
    %reduce_sum3A_509 = arith.constant dense<0.000000e+00> : vector<16xf32>
    %reduce_sum3A_510 = vector.multi_reduction <add>, %select_n3A_508, %reduce_sum3A_509 [1] : vector<16x128xf32> to vector<16xf32>
    %broadcast_in_dim3A_511 = vector.shape_cast %reduce_sum3A_510 : vector<16xf32> to vector<16x1xf32>
    %le3A_512 = vector.broadcast %get3A_488 : vector<1x8064xf32> to vector<16x8064xf32>
    %le3A_513 = vector.broadcast %broadcast_in_dim3A_511 : vector<16x1xf32> to vector<16x8064xf32>
    %le3A_514 = arith.cmpf ole, %le3A_512, %le3A_513 : vector<16x8064xf32>
    %jit3A_515 = arith.constant 1.000000e+00 : f32
    %jit3A_516 = arith.constant 0.000000e+00 : f32
    %broadcast_in_dim3A_517 = vector.broadcast %jit3A_515 : f32 to vector<16x8064xf32>
    %broadcast_in_dim3A_518 = vector.broadcast %jit3A_516 : f32 to vector<16x8064xf32>
    %select_n3A_519 = arith.select %le3A_514, %broadcast_in_dim3A_517, %broadcast_in_dim3A_518 : vector<16x8064xi1>, vector<16x8064xf32>
    %reduce_sum3A_520 = arith.constant dense<0.000000e+00> : vector<16xf32>
    %reduce_sum3A_521 = vector.multi_reduction <add>, %select_n3A_519, %reduce_sum3A_520 [1] : vector<16x8064xf32> to vector<16xf32>
    %broadcast_in_dim3A_522 = vector.shape_cast %reduce_sum3A_521 : vector<16xf32> to vector<16x1xf32>
    %lt3A_523 = vector.broadcast %get3A_491 : vector<1x128xf32> to vector<16x128xf32>
    %lt3A_524 = vector.broadcast %broadcast_in_dim3A_511 : vector<16x1xf32> to vector<16x128xf32>
    %lt3A_525 = arith.cmpf olt, %lt3A_523, %lt3A_524 : vector<16x128xf32>
    %eq3A_526 = vector.broadcast %get3A_491 : vector<1x128xf32> to vector<16x128xf32>
    %eq3A_527 = vector.broadcast %broadcast_in_dim3A_511 : vector<16x1xf32> to vector<16x128xf32>
    %eq3A_528 = arith.cmpf oeq, %eq3A_526, %eq3A_527 : vector<16x128xf32>
    %lt3A_529 = arith.cmpi slt, %iota3A_0, %add3A_2 : vector<16x128xi32>
    %and3A_530 = arith.andi %eq3A_528, %lt3A_529 : vector<16x128xi1>
    %or3A_531 = arith.ori %lt3A_525, %and3A_530 : vector<16x128xi1>
    %jit3A_532 = arith.constant 1.000000e+00 : f32
    %jit3A_533 = arith.constant 0.000000e+00 : f32
    %broadcast_in_dim3A_534 = vector.broadcast %jit3A_532 : f32 to vector<16x128xf32>
    %broadcast_in_dim3A_535 = vector.broadcast %jit3A_533 : f32 to vector<16x128xf32>
    %select_n3A_536 = arith.select %or3A_531, %broadcast_in_dim3A_534, %broadcast_in_dim3A_535 : vector<16x128xi1>, vector<16x128xf32>
    %reduce_sum3A_537 = arith.constant dense<0.000000e+00> : vector<16xf32>
    %reduce_sum3A_538 = vector.multi_reduction <add>, %select_n3A_536, %reduce_sum3A_537 [1] : vector<16x128xf32> to vector<16xf32>
    %broadcast_in_dim3A_539 = vector.shape_cast %reduce_sum3A_538 : vector<16xf32> to vector<16x1xf32>
    %add3A_540 = arith.addf %broadcast_in_dim3A_522, %broadcast_in_dim3A_539 : vector<16x1xf32>
    %mul3A_541 = arith.constant 8 : i32
    %mul3A_542 = arith.muli %arg0, %mul3A_541 : i32
    %add3A_543 = arith.constant 7 : i32
    %add3A_544 = arith.addi %mul3A_542, %add3A_543 : i32
    %mul3A_545 = arith.constant 8192 : i32
    %mul3A_546 = arith.muli %add3A_544, %mul3A_545 : i32
    %convert_element_type3A_547 = arith.fptosi %add3A_540 : vector<16x1xf32> to vector<16x1xi32>
    %add3A_548 = vector.broadcast %mul3A_546 : i32 to vector<16x1xi32>
    %add3A_549 = arith.addi %convert_element_type3A_547, %add3A_548 : vector<16x1xi32>
    %swap3A_550 = arith.constant 112 : index
    %swap3A_551 = arith.constant 0 : index
    %swap3A_552 = vector.load %arg4[%swap3A_550, %swap3A_551] : memref<128x1xi32, #tpu.memory_space<vmem>>, vector<16x1xi32>
    tpu.vector_store %arg4[%swap3A_550, %swap3A_551], %add3A_549 {strides = array<i32>} : memref<128x1xi32, #tpu.memory_space<vmem>>, vector<16x1xi32>,
    %eq3A_553 = arith.constant 0 : i32
    %eq3A_554 = arith.cmpi eq, %arg0, %eq3A_553 : i32
    %convert_element_type3A_555 = arith.extui %eq3A_554 : i1 to i32
    %cond3A = arith.constant 0 : i32
    %cond3A_556 = arith.cmpi ne, %convert_element_type3A_555, %cond3A : i32
    scf.if %cond3A_556 {
      %broadcast_in_dim3A_572 = arith.constant 0.000000e+00 : f32
      %broadcast_in_dim3A_573 = vector.broadcast %broadcast_in_dim3A_572 : f32 to vector<1x16xf32>
      %swap3A_574 = arith.constant 0 : index
      %swap3A_575 = arith.constant 0 : index
      %swap3A_576 = vector.load %arg3[%swap3A_574, %swap3A_575] : memref<1x16xf32, #tpu.memory_space<vmem>>, vector<1x16xf32>
      tpu.vector_store %arg3[%swap3A_574, %swap3A_575], %broadcast_in_dim3A_573 {strides = array<i32>} : memref<1x16xf32, #tpu.memory_space<vmem>>, vector<1x16xf32>,
    } else {
    }
    %get3A_557 = arith.constant 0 : index
    %get3A_558 = arith.constant 0 : index
    %get3A_559 = vector.load %arg3[%get3A_557, %get3A_558] : memref<1x16xf32, #tpu.memory_space<vmem>>, vector<1x16xf32>
    %mul3A_560 = arith.constant 7.812500e-03 : f32
    %mul3A_561 = vector.broadcast %mul3A_560 : f32 to vector<1x1xf32>
    %mul3A_562 = arith.mulf %add3A_503, %mul3A_561 : vector<1x1xf32>
    %jit3A_563 = arith.constant 0.000000e+00 : f32
    %broadcast_in_dim3A_564 = vector.shape_cast %mul3A_562 : vector<1x1xf32> to vector<1x1xf32>
    %broadcast_in_dim3A_565 = vector.broadcast %broadcast_in_dim3A_564 : vector<1x1xf32> to vector<1x16xf32>
    %broadcast_in_dim3A_566 = vector.broadcast %jit3A_563 : f32 to vector<1x16xf32>
    %select_n3A_567 = arith.select %eq3A_6, %broadcast_in_dim3A_565, %broadcast_in_dim3A_566 : vector<1x16xi1>, vector<1x16xf32>
    %add3A_568 = arith.addf %get3A_559, %select_n3A_567 : vector<1x16xf32>
    %swap3A_569 = arith.constant 0 : index
    %swap3A_570 = arith.constant 0 : index
    %swap3A_571 = vector.load %arg3[%swap3A_569, %swap3A_570] : memref<1x16xf32, #tpu.memory_space<vmem>>, vector<1x16xf32>
    tpu.vector_store %arg3[%swap3A_569, %swap3A_570], %add3A_568 {strides = array<i32>} : memref<1x16xf32, #tpu.memory_space<vmem>>, vector<1x16xf32>,
    return
  }
  func.func @transform_0(%arg0: i32) -> (i32, i32) {
    %c0_i32 = arith.constant 0 : i32
    %c0_i32_0 = arith.constant 0 : i32
    return %arg0, %c0_i32 : i32, i32
  }
  func.func @transform_1(%arg0: i32) -> (i32, i32) {
    %c0_i32 = arith.constant 0 : i32
    %c0_i32_0 = arith.constant 0 : i32
    return %arg0, %c0_i32 : i32, i32
  }
  func.func @transform_2(%arg0: i32) -> (i32, i32) {
    %c0_i32 = arith.constant 0 : i32
    %c0_i32_0 = arith.constant 0 : i32
    %c0_i32_1 = arith.constant 0 : i32
    return %c0_i32, %c0_i32_0 : i32, i32
  }
  func.func @transform_3(%arg0: i32) -> (i32, i32) {
    %c0_i32 = arith.constant 0 : i32
    %c0_i32_0 = arith.constant 0 : i32
    return %arg0, %c0_i32 : i32, i32
  }
}

</mosaic_0001>

<sc_bundles>
// kernel: kernel.4.cloned.1.call-start
scs
__scs_entry_jumppad:
0x0: {  	(pc) =	sbr.rel $0x88, $3  }
0x1: {  	(tag) =	ssettag $0x0;
	lr =	simm.s32 $0x1  }
0x2: {  	[smem:$0x3F9F] =	sst lr;
	_ =	strace $0xD0000000  }
0x3: {  	_ = 	snop  }
0x4: {  	_ = 	snop  }
0x5: {  	_ = 	snop  }
0x6: {  	_ = 	snop  }
0x7: {  	_ = 	snop  }
__scs_overlays_trampoline_lowered:
0x8: {  	[smem:$0x3FAE] =	sst s0  }
0x9: {  	[smem:$0x3FAF] =	sst s1  }
0xa: {  	[smem:$0x3FB0] =	sst s2  }
0xb: {  	[smem:$0x3FB1] =	sst s3  }
0xc: {  	[smem:$0x3FB2] =	sst s4  }
0xd: {  	[smem:$0x3FB3] =	sst s5  }
0xe: {  	[smem:$0x3FB4] =	sst s6  }
0xf: {  	[smem:$0x3FB5] =	sst s7  }
0x10: {  	[smem:$0x3FB6] =	sst s8  }
0x11: {  	[smem:$0x3FB7] =	sst s9;
	s0 =	simm.s32 @!p0 $0x0  }
0x12: {  	s1 =	sld [smem:$0x3F9D];
	s0 =	simm.s32 @p0 $0x1  }
0x13: {  	[smem:$0x3FB8] =	sst s0;
	s0 =	simm.s32 @!p1 $0x0  }
0x14: {  	s2 =	sld [smem:$0x3F9C];
	s0 =	simm.s32 @p1 $0x1  }
0x15: {  	[smem:$0x3FB9] =	sst s0;
	s0 =	simm.s32 @!p2 $0x0  }
0x16: {  	s3 =	sld [smem:$0x3FDB];
	s0 =	simm.s32 @p2 $0x1  }
0x17: {  	s4 =	simm.s32 $0x1BF5;
	[smem:$0x3FBB] =	sst s0  }
0x18: {  	s0 =	sld [smem:$0x3F9E];
	_ =	swait.ge [sflag:s4], $0x0  }
0x19: {  	s7 =	sld [smem:$0x3F9F]  }
0x1a: {  	s8 =	sadd.s32 $0xFFFFE003, lr  }
0x1b: {  	s9 =	sadd.s32 $0xFFFFFEF7, lr;
	s5 =	simm.s32 $0xFFFFFFFF;
	p2 =	slt.u32 s8, $0xFFFFF086  }
0x1c: {  	p1 =	slt.u32 s9, $0xF7A;
	s5 =	simm.s32 @!p2 $0x0  }
0x1d: {  	s5 =	simm.s32 @p1 $0x1;
	p0 =	seq.s32 s7, s2  }
0x1e: {  	s7 =	smul.u32 @!p0 $0xF7A, s2;
	p2 =	seq.s32 @!p0 s5, $0x0  }
0x1f: {  	s9 =	smul.u32 $0xF7A, s1;
	s8 =	simm.s32 @!p0 $0x1BF5;
	p2 =	por !p2, p0  }
0x20: {  	[sflag:s8] =	ssyncset.s32 @!p0 $0xFFFFF086;
	s6 =	sadd.s32 @!p0 s3, s7;
	s7 =	simm.s32 @!p0 $0x108  }
0x21: {  	s3 =	sadd.s32 s3, s9;
	s6 =	sadd.s32 @!p0 $0x88, s6;
	s7 =	simm.s32 @p2 $0x1082  }
0x22: {  	[simem:s7], [sflag:s8] =	dma.local @!p0 [hbm:s6], $0xF7A  }
0x23: {  	s9 =	sor.u32 $0xD0000000, s2;
	s6 =	simm.s32 $0x108;
	_ =	swait.ge @!p0 [sflag:s8], $0x0  }
0x24: {  	s3 =	sadd.s32 $0x88, s3;
	s6 =	simm.s32 @!p1 $0x1082;
	[sflag:s4] =	ssyncset.s32 $0xFFFFF086  }
0x25: {  	[simem:s6], [sflag:s4] =	dma.local [hbm:s3], $0xF7A  }
0x26: {  	[smem:$0x3F9F] =	sst s1;
	(tag) =	ssettag s2;
	_ =	strace s9  }
0x27: {  	s1 =	sld [smem:$0x3FAF]  }
0x28: {  	s2 =	sld [smem:$0x3FB0]  }
0x29: {  	s4 =	sld [smem:$0x3FB2]  }
0x2a: {  	p0 =	seq.s32 s5, $0x0;
	s5 =	sld [smem:$0x3FB3]  }
0x2b: {  	s6 =	sld [smem:$0x3FB4]  }
0x2c: {  	s7 =	sld [smem:$0x3FB5]  }
0x2d: {  	s3 =	simm.s32 $0x108;
	s8 =	sld [smem:$0x3FB6]  }
0x2e: {  	s3 =	simm.s32 @!p0 $0x1082;
	s9 =	sld [smem:$0x3FB7]  }
0x2f: {  	lr =	sadd.s32 s0, s3;
	s0 =	sld [smem:$0x3FAE]  }
0x30: {  	s3 =	sld [smem:$0x3FB1]  }
0x31: {  	[smem:$0x3FBA] =	sst s10  }
0x32: {  	s10 =	sld [smem:$0x3FB8];
	_ =	sdelay $0x3  }
0x33: {  	p0 =	seq.s32 s10, $0x1;
	s10 =	sld [smem:$0x3FBA];
	_ =	sdelay $0x3  }
0x34: {  	[smem:$0x3FBA] =	sst s10  }
0x35: {  	s10 =	sld [smem:$0x3FB9];
	_ =	sdelay $0x3  }
0x36: {  	p1 =	seq.s32 s10, $0x1;
	s10 =	sld [smem:$0x3FBA];
	_ =	sdelay $0x3  }
0x37: {  	[smem:$0x3FBA] =	sst s10  }
0x38: {  	s10 =	sld [smem:$0x3FBB]  }
0x39: {  	_ = 	snop;
	(pc) =	sbr.ind lr, $3  }
0x3a: {  	_ = 	snop  }
0x3b: {  	_ = 	snop  }
0x3c: {  	p2 =	seq.s32 s10, $0x1;
	s10 =	sld [smem:$0x3FBA]  }
0x3d: {  	_ =	shalt  }
0x3e: {  	_ =	shalt  }
0x3f: {  	_ =	shalt  }
0x40: {  	_ =	shalt  }
0x41: {  	_ =	shalt  }
0x42: {  	_ =	shalt  }
0x43: {  	_ =	shalt  }
0x44: {  	_ =	shalt  }
0x45: {  	_ =	shalt  }
0x46: {  	_ =	shalt  }
0x47: {  	_ =	shalt  }
0x48: {  	_ =	shalt  }
0x49: {  	_ =	shalt  }
0x4a: {  	_ =	shalt  }
0x4b: {  	_ =	shalt  }
0x4c: {  	_ =	shalt  }
0x4d: {  	_ =	shalt  }
0x4e: {  	_ =	shalt  }
0x4f: {  	_ =	shalt  }
0x50: {  	_ =	shalt  }
0x51: {  	_ =	shalt  }
0x52: {  	_ =	shalt  }
0x53: {  	_ =	shalt  }
0x54: {  	_ =	shalt  }
0x55: {  	_ =	shalt  }
0x56: {  	_ =	shalt  }
0x57: {  	_ =	shalt  }
0x58: {  	_ =	shalt  }
0x59: {  	_ =	shalt  }
0x5a: {  	_ =	shalt  }
0x5b: {  	_ =	shalt  }
0x5c: {  	_ =	shalt  }
0x5d: {  	_ =	shalt  }
0x5e: {  	_ =	shalt  }
0x5f: {  	_ =	shalt  }
0x60: {  	_ =	shalt  }
0x61: {  	_ =	shalt  }
0x62: {  	_ =	shalt  }
0x63: {  	_ =	shalt  }
0x64: {  	_ =	shalt  }
0x65: {  	_ =	shalt  }
0x66: {  	_ =	shalt  }
0x67: {  	_ =	shalt  }
0x68: {  	_ =	shalt  }
0x69: {  	_ =	shalt  }
0x6a: {  	_ =	shalt  }
0x6b: {  	_ =	shalt  }
0x6c: {  	_ =	shalt  }
0x6d: {  	_ =	shalt  }
0x6e: {  	_ =	shalt  }
0x6f: {  	_ =	shalt  }
0x70: {  	_ =	shalt  }
0x71: {  	_ =	shalt  }
0x72: {  	_ =	shalt  }
0x73: {  	_ =	shalt  }
0x74: {  	_ =	shalt  }
0x75: {  	_ =	shalt  }
0x76: {  	_ =	shalt  }
0x77: {  	_ =	shalt  }
0x78: {  	_ =	shalt  }
0x79: {  	_ =	shalt  }
0x7a: {  	_ =	shalt  }
0x7b: {  	_ =	shalt  }
0x7c: {  	_ =	shalt  }
0x7d: {  	_ =	shalt  }
0x7e: {  	_ =	shalt  }
0x7f: {  	_ =	shalt  }
0x80: {  	_ =	shalt  }
0x81: {  	_ =	shalt  }
0x82: {  	_ =	shalt  }
0x83: {  	_ =	shalt  }
0x84: {  	_ =	shalt  }
0x85: {  	_ =	shalt  }
0x86: {  	_ =	shalt  }
0x87: {  	_ =	shalt  }
.Lfunc_end0:
.L_simem_size_0:
called_computation_lowered:
.L_overlay_start_0:
0x88: {  	s0 =	sld [smem:$0x3FD9]  }
0x89: {  	s1 =	sld [smem:$0x3FFE];
	_ =	sdelay $0x3  }
0x8a: {  	s0 =	sadd.s32 s1, s0  }
0x8b: {  	[smem:$0x3FC6] =	sst s0  }
0x8c: {  	_ = 	snop  }
0x8d: {  	s0 =	sld [smem:$0x3FD0];
	(tm) =	ssettm $0x1  }
0x8e: {  	s16 =	sld [smem:$0x3FFB];
	_ =	sdelay $0x3  }
0x8f: {  	_ =	strace s16  }
0x90: {  	s1 =	sld [smem:$0x3FFC];
	_ =	sdelay $0x3  }
0x91: {  	_ =	strace s1  }
0x92: {  	s1 =	sld [smem:$0x3FFD];
	_ =	sdelay $0x3  }
0x93: {  	_ =	strace s1  }
0x94: {  	_ =	strace $0x8FFFFFFF  }
0x95: {  	s17 =	sld [smem:$0x3FDB];
	_ =	sdelay $0x1  }
0x96: {  	s2 =	simm.s32 $_scs_section_size  }
0x97: {  	s3 =	simm.s32 $_size__tile_overlayer_lowered;
	s4 =	simm.s32 $_tile_overlayer_lowered  }
0x98: {  	s20 =	simm.s32 $0x1BFF;
	s19 =	sshll.u32 s4, $0x1;
	s1 =	sadd.s32 s2, s17  }
0x99: {  	s5 =	simm.s32 $0x0;
	s18 =	sshll.u32 s3, $0x1;
	s3 =	sadd.s32 s19, s1  }
0x9a: {  	[timem:s5], [sflag:s20] =	dma.local [hbm:s3], s18  }
0x9b: {  	_ =	swait.ge [sflag:s20], s18  }
0x9c: {  	s2 =	ssub.s32 $0x0, s18;
	[sflag:s20] =	ssyncset.done $0x0  }
0x9d: {  	[sflag:s20] =	ssyncadd.s32 s2;
	_ =	sdelay $0x1  }
0x9e: {  	s21 =	simm.s32 $0x1B8B  }
0x9f: {  	_ =	swait.ge [sflag:s21], $0x1  }
0xa0: {  	[sflag:s21] =	ssyncset.done $0x0  }
0xa1: {  	s23 =	simm.s32 $0x1B8E;
	s22 =	sld [smem:$0x3FFE];
	[sflag:s21] =	ssyncadd.s32 $0xFFFFFFFF  }
0xa2: {  	s24 =	simm.s32 $execute0_lowered;
	[smem:$0x3FD2] =	sst s23  }
0xa3: {  	s3 =	sshll.u32 s24, $0x1;
	_ =	strace $0x80000046;
	[dreg:$0x1] =	wrdreg $0xFFFFFFFF  }
0xa4: {  	s25 =	simm.s32 $_size_execute0_lowered;
	s1 =	sadd.s32 s1, s3;
	[dreg:$0x0] =	wrdreg $0x0  }
0xa5: {  	s3 =	sshll.u32 s25, $0x1;
	[dreg:$0x2] =	wrdreg s1  }
0xa6: {  	[dreg:$0x3] =	wrdreg s3  }
0xa7: {  	[dreg:$0x4] =	wrdreg $0xC0  }
0xa8: {  	_ =	task [dreg:s5], $0x5FFFF  }
0xa9: {  	[dreg:$0x1] =	wrdreg $0xFFFFFFFF  }
0xaa: {  	[dreg:$0x0] =	wrdreg $0x60  }
0xab: {  	[dreg:$0x2] =	wrdreg s22  }
0xac: {  	[dreg:$0x3] =	wrdreg s0  }
0xad: {  	[dreg:$0x4] =	wrdreg $0x3000  }
0xae: {  	[dreg:$0x5] =	wrdreg $0x9  }
0xaf: {  	_ =	task.clear_ibuf [dreg:s5], $0x6FFFF;
	_ =	strace $0x90000046  }
0xb0: {  	s26 =	simm.s32 $0x9;
	_ =	strace $0x80000048  }
0xb1: {  	_ =	swait.ge [sflag:s26], $0x1  }
0xb2: {  	[sflag:s26] =	ssyncadd.s32 $0xFFFFFFFF  }
0xb3: {  	_ =	strace $0x90000048  }
0xb4: {  	_ =	sfence  }
0xb5: {  	s28 =	sld [smem:$0x0];
	_ =	sdelay $0x1  }
0xb6: {  	s29 =	srdreg.scid  }
0xb7: {  	s30 =	sshll.u32 s29, $0xD;
	s31 =	sshrl.u32 s29, $0x2  }
0xb8: {  	s2 =	sand.u32 $0x4000, s30;
	s1 =	sand.u32 $0x1, s29;
	s0 =	sadd.s32 s31, s28  }
0xb9: {  	s1 =	sor.u32 s2, s1;
	s0 =	sshll.u32 s0, $0x11  }
0xba: {  	s0 =	sor.u32 s0, s1  }
0xbb: {  	s0 =	sadd.s32 $0x8F2B, s0  }
0xbc: {  	[sflag:s0] =	ssyncadd.remote.s32 $0x1  }
0xbd: {  	_ =	sfence.sel $0xFFFF  }
0xbe: {  	[dreg:$0x0] =	wrdreg $0xFFFFFFFF;
	(pc) =	sbr.abs _section_cstart, $3  }
0xbf: {  	[dreg:$0x1] =	wrdreg $0xFFFFFFFF  }
0xc0: {  	_ =	task.clear_ibuf [dreg:s5], $0x2FFFF;
	_ =	strace $0x9FFFFFFF  }
0xc1: {  	(tm) =	ssettm $0x7FFFFFFF  }
tec
execute0_lowered:
.L_overlay_start_1:
0x0: {  	(tag) =	ssettag $0x1  }
0x1: {  	vm0 =	vcmask $0x300;
	v0 =	vimm.f32 $0.0e+00  }
0x2: {  	vm14 =	vcmask $0x704;
	v0 =	vsel vm0, $0xC1AD1F97, v0  }
0x3: {  	vm15 =	vcmask $0xB08;
	v0 =	vsel vm14, $0xC1A194F4, v0  }
0x4: {  	vm4 =	vcmask $0xF0C;
	v0 =	vsel vm15, $0xC1960A50, v0  }
0x5: {  	vm5 =	vcmask $0x1310;
	v0 =	vsel vm4, $0xC18A7FAC, v0  }
0x6: {  	vm6 =	vcmask $0x1714;
	v0 =	vsel vm5, $0xC17DEA11, v0  }
0x7: {  	vm7 =	vcmask $0x1B18;
	v0 =	vsel vm6, $0xC166D4CA, v0  }
0x8: {  	vm8 =	vcmask $0x1F1C;
	v0 =	vsel vm7, $0xC14FBF82, v0  }
0x9: {  	vm9 =	vcmask $0x2320;
	v0 =	vsel vm8, $0xC138AA3B, v0  }
0xa: {  	vm10 =	vcmask $0x2724;
	v0 =	vsel vm9, $0xC12194F4, v0  }
0xb: {  	vm11 =	vcmask $0x2B28;
	v0 =	vsel vm10, $0xC10A7FAC, v0  }
0xc: {  	s1 =	rddreg [dreg:$0x0];
	vm12 =	vcmask $0x2F2C;
	v0 =	vsel vm11, $0xC0E6D4CA, v0  }
0xd: {  	s3 =	rddreg [dreg:$0x1];
	vm13 =	vcmask $0x3330;
	v0 =	vsel vm12, $0xC0B8AA3B, v0  }
0xe: {  	s5 =	rddreg [dreg:$0x2];
	s2 =	simm.s32 $0x0;
	vm14 =	vcmask $0x3734;
	v0 =	vsel vm13, $0xC08A7FAC, v0  }
0xf: {  	[smem:$0x7FF] =	sst s2;
	vm15 =	vcmask $0x3B38;
	v0 =	vsel vm14, $0xC038AA3B, v0  }
0x10: {  	s0 =	rddreg [dreg:$0x3];
	_ =	strace $0x80000047;
	v0 =	vsel vm15, $0xBFB8AA3B, v0  }
0x11: {  	(erf) = vpow2.f32 v0;
	_ =	sdelay $0x3  }
0x12: {  	s6 =	stileid.u32  }
0x13: {  	s4 =	sshll.u32 s6, $0x4  }
0x14: {  	s4 =	sadd.s32 s4, s1  }
0x15: {  	s4 =	sadd.s32 $0x20200, s4  }
0x16: {  	[tilespmem:s2], [sflag:$0x2] =	stream.linear.gather [hbm4b:s4+s2], $0x80, $0x38;
	[tilespmem:$0x310] =	vst v63  }
0x17: {  	s4 =	simm.s32 $0x2;
	v0 =	vpop (erf)  }
0x18: {  	_ =	swait.ge [sflag:s4], $0x80  }
0x19: {  	s8 =	simm.s32 $0x80;
	[sflag:s4] =	ssyncset.done $0x0  }
0x1a: {  	s29 =	simm.s32 $0x1;
	s7 =	sadd.s32 $0x200, s1;
	[sflag:s4] =	ssyncadd.s32 $0xFFFFFF80  }
0x1b: {  	[tilespmem:s8], [sflag:$0x1] =	stream.indirect.gather [hbm4b:s7+s8], $0x1, s2, s8, $0xb8;
	[tilespmem:$0x310] =	vst v63  }
0x1c: {  	_ =	swait.ge [sflag:s29], $0x80  }
0x1d: {  	[sflag:s29] =	ssyncset.done $0x0  }
0x1e: {  	[sflag:s29] =	ssyncadd.s32 $0xFFFFFF80  }
0x1f: {  	v1 =	vld [tilespmem:$0x80];
	_ =	sdelay $0x1  }
0x20: {  	v2 =	vld [tilespmem:$0x90];
	_ =	sdelay $0x1  }
0x21: {  	v3 =	vld [tilespmem:$0xA0]  }
0x22: {  	v1 =	vadd.f32 $0.0e+00, v1  }
0x23: {  	v4 =	vld [tilespmem:$0xB0]  }
0x24: {  	v1 =	vadd.f32 v2, v1  }
0x25: {  	v60 =	vld [tilespmem:$0xC0]  }
0x26: {  	v1 =	vadd.f32 v3, v1  }
0x27: {  	v61 =	vld [tilespmem:$0xD0]  }
0x28: {  	v1 =	vadd.f32 v4, v1  }
0x29: {  	v62 =	vld [tilespmem:$0xE0]  }
0x2a: {  	v1 =	vadd.f32 v60, v1  }
0x2b: {  	v63 =	vld [tilespmem:$0xF0]  }
0x2c: {  	v1 =	vadd.f32 v61, v1;
	_ =	sdelay $0x1  }
0x2d: {  	v1 =	vadd.f32 v62, v1;
	_ =	sdelay $0x1  }
0x2e: {  	v1 =	vadd.f32 v63, v1;
	_ =	sdelay $0x1  }
0x2f: {  	v0 =	vmul.f32 v1, v0  }
0x30: {  	s30 =	sshll.u32 s6, $0x7  }
0x31: {  	s31 =	simm.s32 $0x100;
	s7 =	sadd.s32 s30, s5;
	[tilespmem:$0x100] =	vst v0  }
0x32: {  	[spmem:s7] =	stream.linear.scatter [tilespmem:s31], [sflag:$0x2], $0x80, $0x38;
	[tilespmem:$0x310] =	vst v63  }
0x33: {  	_ =	swait.ge [sflag:s4], $0x80  }
0x34: {  	[sflag:s4] =	ssyncset.done $0x0  }
0x35: {  	[sflag:s4] =	ssyncadd.s32 $0xFFFFFF80  }
0x36: {  	p0 =	sne.s32 s6, $0x0;
	[bflag:$0x0] =	sbarrier.arrive $0xFFFF  }
0x37: {  	_ =	sfence.sel @p0 $0x180000  }
0x38: {  	[bflag:$0x0] =	sbarrier.arrive @p0 $0xFFFF  }
0x39: {  	_ =	strace @p0 $0x90000047  }
0x3a: {  	[bflag:$0x2] =	sbarrier.arrive @p0 $0xFFFF  }
0x3b: {  	_ =	shalt @p0  }
.LBB2_1:
0x3c: {  	s6 =	simm.s32 $0x180  }
0x3d: {  	[tilespmem:s6], [sflag:$0x2] =	stream.linear.gather [spmem:s5], $0x80, $0x38;
	[tilespmem:$0x310] =	vst v63  }
0x3e: {  	_ =	swait.ge [sflag:s4], $0x80  }
0x3f: {  	[sflag:s4] =	ssyncset.done $0x0  }
0x40: {  	s7 =	sadd.s32 $0x80, s5;
	[sflag:s4] =	ssyncadd.s32 $0xFFFFFF80  }
0x41: {  	v0 =	vld [tilespmem:$0x180];
	[tilespmem:s6], [sflag:$0x2] =	stream.linear.gather [spmem:s7], $0x80, $0x38  }
0x42: {  	_ =	swait.ge [sflag:s4], $0x80  }
0x43: {  	[sflag:s4] =	ssyncset.done $0x0  }
0x44: {  	s15 =	sadd.s32 $0x100, s5;
	[sflag:s4] =	ssyncadd.s32 $0xFFFFFF80  }
0x45: {  	v1 =	vld [tilespmem:$0x180];
	[tilespmem:s6], [sflag:$0x2] =	stream.linear.gather [spmem:s15], $0x80, $0x38  }
0x46: {  	_ =	swait.ge [sflag:s4], $0x80  }
0x47: {  	[sflag:s4] =	ssyncset.done $0x0  }
0x48: {  	s16 =	sadd.s32 $0x180, s5;
	[sflag:s4] =	ssyncadd.s32 $0xFFFFFF80  }
0x49: {  	v2 =	vld [tilespmem:$0x180];
	[tilespmem:s6], [sflag:$0x2] =	stream.linear.gather [spmem:s16], $0x80, $0x38  }
0x4a: {  	_ =	swait.ge [sflag:s4], $0x80  }
0x4b: {  	[sflag:s4] =	ssyncset.done $0x0  }
0x4c: {  	s17 =	sadd.s32 $0x200, s5;
	[sflag:s4] =	ssyncadd.s32 $0xFFFFFF80  }
0x4d: {  	v3 =	vld [tilespmem:$0x180];
	[tilespmem:s6], [sflag:$0x2] =	stream.linear.gather [spmem:s17], $0x80, $0x38  }
0x4e: {  	_ =	swait.ge [sflag:s4], $0x80  }
0x4f: {  	[sflag:s4] =	ssyncset.done $0x0  }
0x50: {  	s18 =	sadd.s32 $0x280, s5;
	[sflag:s4] =	ssyncadd.s32 $0xFFFFFF80  }
0x51: {  	v4 =	vld [tilespmem:$0x180];
	[tilespmem:s6], [sflag:$0x2] =	stream.linear.gather [spmem:s18], $0x80, $0x38  }
0x52: {  	_ =	swait.ge [sflag:s4], $0x80  }
0x53: {  	[sflag:s4] =	ssyncset.done $0x0  }
0x54: {  	s19 =	sadd.s32 $0x300, s5;
	[sflag:s4] =	ssyncadd.s32 $0xFFFFFF80  }
0x55: {  	v5 =	vld [tilespmem:$0x180];
	[tilespmem:s6], [sflag:$0x2] =	stream.linear.gather [spmem:s19], $0x80, $0x38  }
0x56: {  	_ =	swait.ge [sflag:s4], $0x80  }
0x57: {  	[sflag:s4] =	ssyncset.done $0x0  }
0x58: {  	s20 =	sadd.s32 $0x380, s5;
	[sflag:s4] =	ssyncadd.s32 $0xFFFFFF80  }
0x59: {  	v6 =	vld [tilespmem:$0x180];
	[tilespmem:s6], [sflag:$0x2] =	stream.linear.gather [spmem:s20], $0x80, $0x38  }
0x5a: {  	_ =	swait.ge [sflag:s4], $0x80  }
0x5b: {  	[sflag:s4] =	ssyncset.done $0x0  }
0x5c: {  	s21 =	sadd.s32 $0x400, s5;
	[sflag:s4] =	ssyncadd.s32 $0xFFFFFF80  }
0x5d: {  	v7 =	vld [tilespmem:$0x180];
	[tilespmem:s6], [sflag:$0x2] =	stream.linear.gather [spmem:s21], $0x80, $0x38  }
0x5e: {  	_ =	swait.ge [sflag:s4], $0x80  }
0x5f: {  	[sflag:s4] =	ssyncset.done $0x0  }
0x60: {  	s22 =	sadd.s32 $0x480, s5;
	[sflag:s4] =	ssyncadd.s32 $0xFFFFFF80  }
0x61: {  	v8 =	vld [tilespmem:$0x180];
	[tilespmem:s6], [sflag:$0x2] =	stream.linear.gather [spmem:s22], $0x80, $0x38  }
0x62: {  	_ =	swait.ge [sflag:s4], $0x80  }
0x63: {  	[sflag:s4] =	ssyncset.done $0x0  }
0x64: {  	s23 =	sadd.s32 $0x500, s5;
	v0 =	vadd.f32 $0.0e+00, v0;
	[sflag:s4] =	ssyncadd.s32 $0xFFFFFF80  }
0x65: {  	v9 =	vld [tilespmem:$0x180];
	[tilespmem:s6], [sflag:$0x2] =	stream.linear.gather [spmem:s23], $0x80, $0x38  }
0x66: {  	v0 =	vadd.f32 v1, v0;
	_ =	swait.ge [sflag:s4], $0x80  }
0x67: {  	[sflag:s4] =	ssyncset.done $0x0  }
0x68: {  	s24 =	sadd.s32 $0x580, s5;
	v0 =	vadd.f32 v2, v0;
	[sflag:s4] =	ssyncadd.s32 $0xFFFFFF80  }
0x69: {  	v10 =	vld [tilespmem:$0x180];
	[tilespmem:s6], [sflag:$0x2] =	stream.linear.gather [spmem:s24], $0x80, $0x38  }
0x6a: {  	v0 =	vadd.f32 v3, v0;
	_ =	swait.ge [sflag:s4], $0x80  }
0x6b: {  	[sflag:s4] =	ssyncset.done $0x0  }
0x6c: {  	s25 =	sadd.s32 $0x600, s5;
	v0 =	vadd.f32 v4, v0;
	[sflag:s4] =	ssyncadd.s32 $0xFFFFFF80  }
0x6d: {  	v58 =	vld [tilespmem:$0x180];
	[tilespmem:s6], [sflag:$0x2] =	stream.linear.gather [spmem:s25], $0x80, $0x38  }
0x6e: {  	v0 =	vadd.f32 v5, v0;
	_ =	swait.ge [sflag:s4], $0x80  }
0x6f: {  	[sflag:s4] =	ssyncset.done $0x0  }
0x70: {  	s26 =	sadd.s32 $0x680, s5;
	v0 =	vadd.f32 v6, v0;
	[sflag:s4] =	ssyncadd.s32 $0xFFFFFF80  }
0x71: {  	v59 =	vld [tilespmem:$0x180];
	[tilespmem:s6], [sflag:$0x2] =	stream.linear.gather [spmem:s26], $0x80, $0x38  }
0x72: {  	v0 =	vadd.f32 v7, v0;
	_ =	swait.ge [sflag:s4], $0x80  }
0x73: {  	[sflag:s4] =	ssyncset.done $0x0  }
0x74: {  	s28 =	sadd.s32 $0x700, s5;
	v0 =	vadd.f32 v8, v0;
	[sflag:s4] =	ssyncadd.s32 $0xFFFFFF80  }
0x75: {  	v60 =	vld [tilespmem:$0x180];
	[tilespmem:s6], [sflag:$0x2] =	stream.linear.gather [spmem:s28], $0x80, $0x38  }
0x76: {  	v0 =	vadd.f32 v9, v0;
	_ =	swait.ge [sflag:s4], $0x80  }
0x77: {  	[sflag:s4] =	ssyncset.done $0x0  }
0x78: {  	s29 =	sadd.s32 $0x780, s5;
	v0 =	vadd.f32 v10, v0;
	[sflag:s4] =	ssyncadd.s32 $0xFFFFFF80  }
0x79: {  	v61 =	vld [tilespmem:$0x180];
	[tilespmem:s6], [sflag:$0x2] =	stream.linear.gather [spmem:s29], $0x80, $0x38  }
0x7a: {  	v0 =	vadd.f32 v58, v0;
	_ =	swait.ge [sflag:s4], $0x80  }
0x7b: {  	[sflag:s4] =	ssyncset.done $0x0  }
0x7c: {  	s30 =	simm.s32 $0x200;
	v0 =	vadd.f32 v59, v0;
	[sflag:s4] =	ssyncadd.s32 $0xFFFFFF80  }
0x7d: {  	v62 =	vld [tilespmem:$0x180];
	[tilespmem:s30], [sflag:$0x2] =	stream.linear.gather [hbm4b:s3+s2], $0x80, $0x38  }
0x7e: {  	v0 =	vadd.f32 v60, v0;
	_ =	swait.ge [sflag:s4], $0x80  }
0x7f: {  	[sflag:s4] =	ssyncset.done $0x0  }
0x80: {  	v0 =	vadd.f32 v61, v0;
	[sflag:s4] =	ssyncadd.s32 $0xFFFFFF80  }
0x81: {  	v63 =	vld [tilespmem:$0x200]  }
0x82: {  	v0 =	vadd.f32 v62, v0;
	_ =	sdelay $0x1  }
0x83: {  	v0 =	vmul.f32 $-4.938441790e-03, v0;
	_ =	sdelay $0x1  }
0x84: {  	v0 =	vadd.f32 v0, v63;
	_ =	sdelay $0x1  }
0x85: {  	s1 =	sadd.s32 $0x20400, s1;
	s31 =	simm.s32 $0x280;
	[tilespmem:$0x280] =	vst v0  }
0x86: {  	[hbm4b:s1+s2] =	stream.linear.scatter [tilespmem:s31], [sflag:$0x2], $0x80, $0x38;
	[tilespmem:$0x310] =	vst v63  }
0x87: {  	_ =	swait.ge [sflag:s4], $0x80  }
0x88: {  	[sflag:s4] =	ssyncset.done $0x0  }
0x89: {  	[sflag:s4] =	ssyncadd.s32 $0xFFFFFF80  }
0x8a: {  	_ =	sfence.sel $0x180000  }
0x8b: {  	[bflag:$0x0] =	sbarrier.arrive $0xFFFF  }
0x8c: {  	_ =	strace $0x90000047  }
0x8d: {  	s0 =	sadd.s32 $0x100000, s0;
	[bflag:$0x2] =	sbarrier.arrive $0xFFFF  }
0x8e: {  	[sflag:s0] =	ssyncadd.tile.s32 $0x1;
	_ =	shalt  }
.Lfunc_end2:
_tile_overlayer_lowered:
.L_overlay_start_2:
0x8f: {  	(tag) =	ssettag $0x2  }
0x90: {  	s0 =	rddreg [dreg:$0x0];
	s2 =	stileid.u32  }
0x91: {  	s1 =	rddreg [dreg:$0x1];
	p0 =	sne.s32 s2, $0x0  }
0x92: {  	s3 =	rddreg [dreg:$0x2];
	[bflag:$0x3] =	sbarrier.arrive $0xFFFF;
	s2 =	simm.s32 @!p0 $0x1C02  }
0x93: {  	[timem:s3], [sflag:s2] =	dma.local @!p0 [hbm:s0], s1  }
0x94: {  	s0 =	simm.s32 @!p0 $0x2  }
0x95: {  	_ =	swait.ge @!p0 [sflag:s0], s1  }
0x96: {  	s1 =	ssub.s32 @!p0 $0x0, s1;
	[sflag:s0] =	ssyncset.done @!p0 $0x0  }
0x97: {  	[sflag:s0] =	ssyncadd.s32 @!p0 s1  }
0x98: {  	[bflag:$0x3] =	sbarrier.arrive $0xFFFF  }
0x99: {  	_ =	shalt  }

</sc_bundles>
